<compile_context>
chip_gen: v7x
topology: tpu7x:2x2x1
jax: 0.10.2.dev20260603
libtpu: 0.0.44.dev20260713+nightly
codegen_flags: <defaults>
</compile_context>

<pallas_src>
import functools
import jax
import jax.numpy as jnp
from jax import lax
from jax.experimental import pallas as pl
from jax.experimental.pallas import tpu as pltpu
from jax.experimental.pallas import tpu_sc as plsc

B, N, M, K = 16, 2048, 512, 64
C_IN = 128
EPS = 1e-5
R2 = 0.2 * 0.2

NROWS = M * B
NW = 32
RPW = NROWS // NW
RB = 16

ROWS = NROWS * K
GPW = ROWS // NW
CH = 128
NCH = GPW // CH

CHUNK = 16384
NSTEP = ROWS // CHUNK


def _fps_body(xyz_ref, d2_ref, nxyz_ref, md_ref, pb_ref, pp_ref):
    i = pl.program_id(0)

    px = xyz_ref[:, 0, :]
    py = xyz_ref[:, 1, :]
    pz = xyz_ref[:, 2, :]

    @pl.when(i == 0)
    def _():
        md_ref[...] = jnp.full((B, N), 1e10, dtype=jnp.float32)
        pb_ref[0] = px.astype(jnp.bfloat16).astype(jnp.float32)
        pb_ref[1] = py.astype(jnp.bfloat16).astype(jnp.float32)
        pb_ref[2] = pz.astype(jnp.bfloat16).astype(jnp.float32)
        pp_ref[...] = (px * px + py * py) + pz * pz

    md = md_ref[...]
    iota = lax.broadcasted_iota(jnp.int32, (B, N), 1)
    rowmax = jnp.max(md, axis=1, keepdims=True)
    far = jnp.min(jnp.where(md == rowmax, iota, N), axis=1)

    onehot = (iota == far[:, None]).astype(jnp.float32)
    cx = jnp.sum(px * onehot, axis=1, keepdims=True)
    cy = jnp.sum(py * onehot, axis=1, keepdims=True)
    cz = jnp.sum(pz * onehot, axis=1, keepdims=True)

    dx = px - cx
    dy = py - cy
    dz = pz - cz
    d = dx * dx + dy * dy + dz * dz

    qp = (cx.astype(jnp.bfloat16).astype(jnp.float32) * pb_ref[0]
          + cy.astype(jnp.bfloat16).astype(jnp.float32) * pb_ref[1]) \
        + cz.astype(jnp.bfloat16).astype(jnp.float32) * pb_ref[2]
    qq = (cx * cx + cy * cy) + cz * cz
    d2_ref[0] = (qq + pp_ref[...]) - 2.0 * qp

    md_ref[...] = jnp.minimum(md, d)
    nxyz_ref[0] = jnp.concatenate([cx, cy, cz], axis=1)


def _fps_d2(xyz):
    return pl.pallas_call(
        _fps_body,
        grid=(M,),
        in_specs=[pl.BlockSpec((B, 3, N), lambda i: (0, 0, 0))],
        out_specs=[
            pl.BlockSpec((1, B, N), lambda i: (i, 0, 0)),
            pl.BlockSpec((1, B, 3), lambda i: (i, 0, 0)),
        ],
        out_shape=[
            jax.ShapeDtypeStruct((M, B, N), jnp.float32),
            jax.ShapeDtypeStruct((M, B, 3), jnp.float32),
        ],
        scratch_shapes=[
            pltpu.VMEM((B, N), jnp.float32),
            pltpu.VMEM((3, B, N), jnp.float32),
            pltpu.VMEM((B, N), jnp.float32),
        ],
    )(xyz)


def _compact_body(d2_hbm, out_hbm, rows_v, bufa_v, bufb_v, out_v):
    wid = lax.axis_index("s") * 2 + lax.axis_index("c")
    r0 = wid * RPW

    def blk_body(jb, _):
        pltpu.sync_copy(d2_hbm.at[pl.ds(r0 + jb * RB, RB)], rows_v)

        def pair_body(jp, _):
            ja = 2 * jp
            jb2 = 2 * jp + 1
            ra = r0 + jb * RB + ja
            rb = ra + 1
            base_a = (ra % B) * N
            base_b = (rb % B) * N

            def chunk_body(c, carry):
                cnt_a, cnt_b = carry
                va = rows_v[ja, pl.ds(c * 16, 16)]
                vb = rows_v[jb2, pl.ds(c * 16, 16)]
                mask_a = va < R2
                mask_b = vb < R2
                iot = lax.iota(jnp.int32, 16) + c * 16
                csum_a = plsc.cumsum(mask_a.astype(jnp.int32))
                csum_b = plsc.cumsum(mask_b.astype(jnp.int32))
                plsc.store_scatter(bufa_v, [cnt_a + csum_a - 1],
                                   iot + base_a, mask=mask_a)
                plsc.store_scatter(bufb_v, [cnt_b + csum_b - 1],
                                   iot + base_b, mask=mask_b)
                return (cnt_a + csum_a[15], cnt_b + csum_b[15])

            cnt_a, cnt_b = lax.fori_loop(
                0, N // 16, chunk_body, (jnp.int32(0), jnp.int32(0)))
            first_a = jnp.where(cnt_a > 0, bufa_v[pl.ds(0, 16)][0], base_a)
            first_b = jnp.where(cnt_b > 0, bufb_v[pl.ds(0, 16)][0], base_b)
            for jj in range(K // 16):
                slot = lax.iota(jnp.int32, 16) + jj * 16
                out_v[jb * RB + ja, pl.ds(jj * 16, 16)] = jnp.where(
                    slot < cnt_a, bufa_v[pl.ds(jj * 16, 16)], first_a)
                out_v[jb * RB + jb2, pl.ds(jj * 16, 16)] = jnp.where(
                    slot < cnt_b, bufb_v[pl.ds(jj * 16, 16)], first_b)
            return 0

        lax.fori_loop(0, RB // 2, pair_body, 0)
        return 0

    lax.fori_loop(0, RPW // RB, blk_body, 0)
    pltpu.sync_copy(out_v, out_hbm.at[pl.ds(r0, RPW)])


def _sc_compact(d2_rows):
    f = functools.partial(
        pl.kernel,
        out_type=jax.ShapeDtypeStruct((NROWS, K), jnp.int32),
        mesh=plsc.VectorSubcoreMesh(core_axis_name="c", subcore_axis_name="s"),
        scratch_types=[
            pltpu.VMEM((RB, N), jnp.float32),
            pltpu.VMEM((N + 16,), jnp.int32),
            pltpu.VMEM((N + 16,), jnp.int32),
            pltpu.VMEM((RPW, K), jnp.int32),
        ],
        compiler_params=pltpu.CompilerParams(needs_layout_passes=False),
    )(_compact_body)
    return f(d2_rows)


GK = 8


def _gather_body(table_hbm, idx_hbm, out_hbm, idx_v, rows_v, sem):
    wid = lax.axis_index("s") * 2 + lax.axis_index("c")
    g0 = wid * GPW

    def body(cc, _):
        base = g0 + cc * (GK * CH)
        pltpu.sync_copy(
            idx_hbm.at[cc + wid * (NCH // GK)], idx_v)
        cps = [
            pltpu.async_copy(table_hbm.at[idx_v.at[j]],
                             rows_v.at[pl.ds(j * CH, CH)], sem)
            for j in range(GK)
        ]
        for cp in cps:
            cp.wait()
        pltpu.sync_copy(rows_v, out_hbm.at[pl.ds(base, GK * CH)])
        return 0

    lax.fori_loop(0, NCH // GK, body, 0)


def _sc_gather(table, gidx_flat):
    idx3 = gidx_flat.reshape(NW * (NCH // GK), GK, CH)
    f = functools.partial(
        pl.kernel,
        out_type=jax.ShapeDtypeStruct((ROWS, 64), jnp.float32),
        mesh=plsc.VectorSubcoreMesh(core_axis_name="c", subcore_axis_name="s"),
        scratch_types=[
            pltpu.VMEM((GK, CH), jnp.int32),
            pltpu.VMEM((GK * CH, 64), jnp.float32),
            pltpu.SemaphoreType.DMA,
        ],
        compiler_params=pltpu.CompilerParams(
            needs_layout_passes=False, use_tc_tiling_on_sc=False),
    )(_gather_body)
    return f(table, idx3)


def _pre1_body(xyz_ref, feat_ref, nxyz_ref, W1_ref, b1_ref, pre1_ref, cc_ref):
    xt = jnp.transpose(xyz_ref[0], (1, 0))
    ft = jnp.transpose(feat_ref[0], (1, 0))
    W1 = W1_ref[...]
    w_xyz = W1[:, :3]
    w_f = W1[:, 3:]
    pre = (jnp.dot(xt, w_xyz.T, precision=lax.Precision.DEFAULT,
                   preferred_element_type=jnp.float32)
           + jnp.dot(ft, w_f.T, precision=lax.Precision.DEFAULT,
                     preferred_element_type=jnp.float32))
    pre1_ref[0] = pre
    nx = nxyz_ref[0]
    cc_ref[0] = b1_ref[...][None, :] - jnp.dot(
        nx, w_xyz.T, precision=lax.Precision.DEFAULT,
        preferred_element_type=jnp.float32)


def _pre1_cc(xyz, feature, nxyz_bm, W1, b1):
    return pl.pallas_call(
        _pre1_body,
        grid=(B,),
        in_specs=[
            pl.BlockSpec((1, 3, N), lambda b: (b, 0, 0)),
            pl.BlockSpec((1, C_IN, N), lambda b: (b, 0, 0)),
            pl.BlockSpec((1, M, 3), lambda b: (b, 0, 0)),
            pl.BlockSpec((128, C_IN + 3), lambda b: (0, 0)),
            pl.BlockSpec((128,), lambda b: (0,)),
        ],
        out_specs=[
            pl.BlockSpec((1, N, 128), lambda b: (b, 0, 0)),
            pl.BlockSpec((1, M, 128), lambda b: (b, 0, 0)),
        ],
        out_shape=[
            jax.ShapeDtypeStruct((B, N, 128), jnp.float32),
            jax.ShapeDtypeStruct((B, M, 128), jnp.float32),
        ],
    )(xyz, feature, nxyz_bm, W1, b1)


DOT = dict(preferred_element_type=jnp.float32)


def _unpack(g_ref):
    u = lax.bitcast_convert_type(g_ref[...], jnp.uint32)
    flo = lax.bitcast_convert_type(u << 16, jnp.float32)
    fhi = lax.bitcast_convert_type(u & jnp.uint32(0xFFFF0000), jnp.float32)
    return jnp.concatenate([flo, fhi], axis=1)


def _p1_body(g_ref, cc_ref, s1_ref, s2_ref):
    i = pl.program_id(0)
    g = _unpack(g_ref).reshape(CHUNK // K, K, 128)
    y = g + cc_ref[...][:, None, :]
    s1 = jnp.sum(y, axis=(0, 1))[None, :]
    s2 = jnp.sum(y * y, axis=(0, 1))[None, :]

    @pl.when(i == 0)
    def _():
        s1_ref[...] = jnp.zeros_like(s1_ref)
        s2_ref[...] = jnp.zeros_like(s2_ref)

    s1_ref[...] += s1
    s2_ref[...] += s2


def _p1(G, cc_rows):
    return pl.pallas_call(
        _p1_body,
        grid=(NSTEP,),
        in_specs=[
            pl.BlockSpec((CHUNK, 64), lambda i: (i, 0)),
            pl.BlockSpec((CHUNK // K, 128), lambda i: (i, 0)),
        ],
        out_specs=[pl.BlockSpec((1, 128), lambda i: (0, 0))] * 2,
        out_shape=[jax.ShapeDtypeStruct((1, 128), jnp.float32)] * 2,
        )(G, cc_rows)


def _p2_body(g_ref, ccz_ref, a1_ref, v_ref, mom_ref):
    i = pl.program_id(0)
    g = _unpack(g_ref).reshape(CHUNK // K, K, 128)
    z1 = jnp.maximum(g * a1_ref[...][None, :, :] + ccz_ref[...][:, None, :],
                     0.0).reshape(CHUNK, 128)
    v = jnp.sum(z1, axis=0)[None, :]
    mom = lax.dot_general(z1, z1, (((0,), (0,)), ((), ())), **DOT)

    @pl.when(i == 0)
    def _():
        v_ref[...] = jnp.zeros_like(v_ref)
        mom_ref[...] = jnp.zeros_like(mom_ref)

    v_ref[...] += v
    mom_ref[...] += mom


def _p2(G, ccz, a1):
    return pl.pallas_call(
        _p2_body,
        grid=(NSTEP,),
        in_specs=[
            pl.BlockSpec((CHUNK, 64), lambda i: (i, 0)),
            pl.BlockSpec((CHUNK // K, 128), lambda i: (i, 0)),
            pl.BlockSpec((1, 128), lambda i: (0, 0)),
        ],
        out_specs=[
            pl.BlockSpec((1, 128), lambda i: (0, 0)),
            pl.BlockSpec((128, 128), lambda i: (0, 0)),
        ],
        out_shape=[
            jax.ShapeDtypeStruct((1, 128), jnp.float32),
            jax.ShapeDtypeStruct((128, 128), jnp.float32),
        ],
        )(G, ccz, a1)


def _asm_body(v_ref, mom_ref, wt_ref, b_ref, s1_ref, s2_ref):
    wt = wt_ref[...]
    u = jnp.dot(v_ref[...], wt, **DOT)
    t = jnp.dot(mom_ref[...], wt, **DOT)
    q = jnp.sum(t * wt, axis=0)[None, :]
    b = b_ref[...]
    s1_ref[...] = u + float(ROWS) * b
    s2_ref[...] = q + 2.0 * b * u + float(ROWS) * b * b


def _asm_stats(v, mom, WT, b):
    cout = WT.shape[1]
    return pl.pallas_call(
        _asm_body,
        in_specs=[
            pl.BlockSpec(v.shape, lambda: (0, 0)),
            pl.BlockSpec(mom.shape, lambda: (0, 0)),
            pl.BlockSpec(WT.shape, lambda: (0, 0)),
            pl.BlockSpec((1, cout), lambda: (0, 0)),
        ],
        out_specs=[pl.BlockSpec((1, cout), lambda: (0, 0))] * 2,
        out_shape=[jax.ShapeDtypeStruct((1, cout), jnp.float32)] * 2,
        )(v, mom, WT, b.reshape(1, -1))


def _p3_body(g_ref, ccz_ref, a1_ref, w2p_ref, e2_ref, v_ref, mom_ref):
    i = pl.program_id(0)
    g = _unpack(g_ref).reshape(CHUNK // K, K, 128)
    z1 = jnp.maximum(g * a1_ref[...][None, :, :] + ccz_ref[...][:, None, :],
                     0.0).reshape(CHUNK, 128)
    z2 = jnp.maximum(jnp.dot(z1, w2p_ref[...], **DOT) + e2_ref[...], 0.0)
    v = jnp.sum(z2, axis=0)[None, :]
    mom = lax.dot_general(z2, z2, (((0,), (0,)), ((), ())), **DOT)

    @pl.when(i == 0)
    def _():
        v_ref[...] = jnp.zeros_like(v_ref)
        mom_ref[...] = jnp.zeros_like(mom_ref)

    v_ref[...] += v
    mom_ref[...] += mom


def _p3(G, ccz, a1, W2p, e2):
    return pl.pallas_call(
        _p3_body,
        grid=(NSTEP,),
        in_specs=[
            pl.BlockSpec((CHUNK, 64), lambda i: (i, 0)),
            pl.BlockSpec((CHUNK // K, 128), lambda i: (i, 0)),
            pl.BlockSpec((1, 128), lambda i: (0, 0)),
            pl.BlockSpec((128, 128), lambda i: (0, 0)),
            pl.BlockSpec((1, 128), lambda i: (0, 0)),
        ],
        out_specs=[
            pl.BlockSpec((1, 128), lambda i: (0, 0)),
            pl.BlockSpec((128, 128), lambda i: (0, 0)),
        ],
        out_shape=[
            jax.ShapeDtypeStruct((1, 128), jnp.float32),
            jax.ShapeDtypeStruct((128, 128), jnp.float32),
        ],
        )(G, ccz, a1, W2p, e2)


def _p4_body(g_ref, ccz_ref, a1_ref, w2p_ref, e2_ref, w3p_ref, e3_ref, out_ref):
    g = _unpack(g_ref).reshape(CHUNK // K, K, 128)
    z1 = jnp.maximum(g * a1_ref[...][None, :, :] + ccz_ref[...][:, None, :],
                     0.0).reshape(CHUNK, 128)
    z2 = jnp.maximum(jnp.dot(z1, w2p_ref[...], **DOT) + e2_ref[...], 0.0)
    z3 = jnp.maximum(jnp.dot(z2, w3p_ref[...], **DOT) + e3_ref[...], 0.0)
    out_ref[...] = jnp.max(z3.reshape(CHUNK // K, K, 256), axis=1)


def _p4(G, ccz, a1, W2p, e2, W3p, e3):
    return pl.pallas_call(
        _p4_body,
        grid=(NSTEP,),
        in_specs=[
            pl.BlockSpec((CHUNK, 64), lambda i: (i, 0)),
            pl.BlockSpec((CHUNK // K, 128), lambda i: (i, 0)),
            pl.BlockSpec((1, 128), lambda i: (0, 0)),
            pl.BlockSpec((128, 128), lambda i: (0, 0)),
            pl.BlockSpec((1, 128), lambda i: (0, 0)),
            pl.BlockSpec((128, 256), lambda i: (0, 0)),
            pl.BlockSpec((1, 256), lambda i: (0, 0)),
        ],
        out_specs=pl.BlockSpec((CHUNK // K, 256), lambda i: (i, 0)),
        out_shape=jax.ShapeDtypeStruct((NROWS, 256), jnp.float32),
        )(G, ccz, a1, W2p, e2, W3p, e3)


def _affine(g, be, s1, s2):
    n = float(ROWS)
    mean = s1[0] / n
    var = s2[0] / n - mean * mean
    a = g / jnp.sqrt(var + EPS)
    c = be - mean * a
    return a, c




def kernel(xyz, feature, W1, b1, g1, be1, W2, b2, g2, be2, W3, b3, g3, be3):
    d2, nxyz = _fps_d2(xyz)
    new_xyz = jnp.transpose(nxyz, (1, 2, 0))
    gidx = _sc_compact(d2.reshape(NROWS, N))
    pre1, cc = _pre1_cc(xyz, feature, jnp.transpose(nxyz, (1, 0, 2)), W1, b1)
    pre_bf = pre1.astype(jnp.bfloat16)
    plo = lax.bitcast_convert_type(pre_bf[:, :, :64], jnp.uint16).astype(jnp.uint32)
    phi = lax.bitcast_convert_type(pre_bf[:, :, 64:], jnp.uint16).astype(jnp.uint32)
    packed = lax.bitcast_convert_type(plo | (phi << 16), jnp.float32)
    G = _sc_gather(packed.reshape(B * N, 64), gidx.reshape(-1))
    cc_rows = jnp.transpose(cc, (1, 0, 2)).reshape(NROWS, 128)
    s1, s2 = _p1(G, cc_rows)
    a1, c1 = _affine(g1, be1, s1, s2)
    a1r = a1[None, :]
    ccz = cc_rows * a1r + c1[None, :]
    v1, mom1 = _p2(G, ccz, a1r)
    t1, t2 = _asm_stats(v1, mom1, W2.T, b2)
    a2, c2 = _affine(g2, be2, t1, t2)
    W2p = W2.T * a2[None, :]
    e2 = (a2 * b2 + c2)[None, :]
    v2, mom2 = _p3(G, ccz, a1r, W2p, e2)
    u1, u2 = _asm_stats(v2, mom2, W3.T, b3)
    a3, c3 = _affine(g3, be3, u1, u2)
    W3p = W3.T * a3[None, :]
    e3 = (a3 * b3 + c3)[None, :]
    pooled = _p4(G, ccz, a1r, W2p, e2, W3p, e3)
    nf = jnp.transpose(pooled.reshape(M, B, 256), (1, 2, 0))
    return (new_xyz, nf)

# --- scband reference (transcript-rebuilt; emitter-appended) ---
"""Pipeline reference for scband-point-net-samodule-1717986918816 (READ-ONLY COPY).

The authoritative reference and input builder live on the scoring server;
editing this copy changes nothing except your own understanding.
"""

import jax, jax.numpy as jnp
import numpy as np

B, N, M, K = 16, 2048, 512, 64
C_IN = 128
RADIUS = 0.2
EPS = 1e-5

def setup_inputs(seed: int = 0):
    key = jax.random.key(seed)
    ks = jax.random.split(key, 8)
    xyz = jax.random.uniform(ks[0], (B, 3, N), dtype=jnp.float32)
    feature = jax.random.normal(ks[1], (B, C_IN, N), dtype=jnp.float32)
    W1 = jax.random.normal(ks[2], (128, C_IN + 3), dtype=jnp.float32) * 0.05
    b1 = jnp.zeros((128,), dtype=jnp.float32)
    g1 = jnp.ones((128,), dtype=jnp.float32)
    be1 = jnp.zeros((128,), dtype=jnp.float32)
    W2 = jax.random.normal(ks[3], (128, 128), dtype=jnp.float32) * 0.05
    b2 = jnp.zeros((128,), dtype=jnp.float32)
    g2 = jnp.ones((128,), dtype=jnp.float32)
    be2 = jnp.zeros((128,), dtype=jnp.float32)
    W3 = jax.random.normal(ks[4], (256, 128), dtype=jnp.float32) * 0.05
    b3 = jnp.zeros((256,), dtype=jnp.float32)
    g3 = jnp.ones((256,), dtype=jnp.float32)
    be3 = jnp.zeros((256,), dtype=jnp.float32)
    return {'xyz': xyz, 'feature': feature, 'W1': W1, 'b1': b1, 'g1': g1, 'be1': be1,
            'W2': W2, 'b2': b2, 'g2': g2, 'be2': be2, 'W3': W3, 'b3': b3, 'g3': g3, 'be3': be3}

def _fps(xyz, num_centroids):
    pts = jnp.transpose(xyz, (0, 2, 1))
    b, n, _ = pts.shape
    def body(i, carry):
        mindist, idxs, far = carry
        idxs = idxs.at[:, i].set(far)
        centroid = pts[jnp.arange(b), far]
        d = jnp.sum((pts - centroid[:, None, :]) ** 2, axis=-1)
        mindist = jnp.minimum(mindist, d)
        far = jnp.argmax(mindist, axis=-1).astype(jnp.int32)
        return (mindist, idxs, far)
    init = (jnp.full((b, n), 1e10, dtype=jnp.float32),
            jnp.zeros((b, num_centroids), dtype=jnp.int32),
            jnp.zeros((b,), dtype=jnp.int32))
    _, idxs, _ = jax.lax.fori_loop(0, num_centroids, body, init)
    return idxs

def _ball_query(new_xyz, xyz, radius, k):
    q = jnp.transpose(new_xyz, (0, 2, 1))
    p = jnp.transpose(xyz, (0, 2, 1))
    n = p.shape[1]
    d2 = (jnp.sum(q ** 2, -1)[:, :, None] + jnp.sum(p ** 2, -1)[:, None, :]
          - 2.0 * jnp.einsum('bmd,bnd->bmn', q, p))
    mask = d2 < radius * radius
    skey = jnp.where(mask, jnp.arange(n, dtype=jnp.int32)[None, None, :], jnp.int32(n))
    sk = jnp.sort(skey, axis=-1)[:, :, :k]
    first = sk[:, :, :1]
    idx = jnp.where(sk < n, sk, first)
    idx = jnp.where(idx < n, idx, 0)
    return idx

def _gather(x, idx):
    return jax.vmap(lambda xb, ib: xb[:, ib])(x, idx)

def _conv_bn_relu(x, W, b, g, be):
    y = jnp.einsum('oc,bcmk->bomk', W, x) + b[None, :, None, None]
    mean = jnp.mean(y, axis=(0, 2, 3), keepdims=True)
    var = jnp.var(y, axis=(0, 2, 3), keepdims=True)
    y = (y - mean) / jnp.sqrt(var + EPS)
    y = y * g[None, :, None, None] + be[None, :, None, None]
    return jax.nn.relu(y)

def reference(xyz, feature, W1, b1, g1, be1, W2, b2, g2, be2, W3, b3, g3, be3):
    idx = _fps(xyz, M)
    new_xyz = _gather(xyz, idx)
    nb_idx = _ball_query(new_xyz, xyz, RADIUS, K)
    grouped_xyz = _gather(xyz, nb_idx) - new_xyz[:, :, :, None]
    grouped_feat = _gather(feature, nb_idx)
    nf = jnp.concatenate([grouped_xyz, grouped_feat], axis=1)
    nf = _conv_bn_relu(nf, W1, b1, g1, be1)
    nf = _conv_bn_relu(nf, W2, b2, g2, be2)
    nf = _conv_bn_relu(nf, W3, b3, g3, be3)
    nf = jnp.max(nf, axis=3)
    return (new_xyz, nf)

if __name__ == "__main__":
    import jax
    _d = setup_inputs()
    print(jax.jit(kernel)(*tuple(_d.values())))

</pallas_src>

<mosaic_0001>
#map = affine_map<(d0, d1) -> (0, 0)>
module attributes {stable_mosaic.version = 14 : i64} {
  func.func @_compact_body(%arg0: i32, %arg1: i32, %arg2: memref<8192x2048xf32, #tpu.memory_space<hbm>>, %arg3: memref<8192x64xi32, #tpu.memory_space<hbm>>, %arg4: memref<16x2048xf32, #tpu.memory_space<vmem>>, %arg5: memref<2064xi32, #tpu.memory_space<vmem>>, %arg6: memref<2064xi32, #tpu.memory_space<vmem>>, %arg7: memref<256x64xi32, #tpu.memory_space<vmem>>) attributes {dimension_semantics = [#tpu.dimension_semantics<core_parallel>, #tpu.dimension_semantics<subcore_parallel>], iteration_bounds = array<i64: 2, 16>, scalar_prefetch = 0 : i64, scratch_operands = 4 : i64, tpu.core_type = #tpu.core_type<sc_vector_subcore>, window_params = [{transform_indices = #map}, {transform_indices = #map}]} {
    %mul3A = arith.constant 2 : i32
    %mul3A_0 = arith.muli %arg1, %mul3A : i32
    %add3A = arith.addi %mul3A_0, %arg0 : i32
    %mul3A_1 = arith.constant 256 : i32
    %mul3A_2 = arith.muli %add3A, %mul3A_1 : i32
    %scan3A = arith.constant 0 : i32
    %scan3A_3 = arith.constant 0 : i32
    %scan3A_4 = arith.constant 16 : i32
    %scan3A_5 = arith.addi %scan3A_3, %scan3A_4 : i32
    %scan3A_6 = arith.constant 1 : i32
    %scan3A_7 = scf.for %scan3A_9 = %scan3A_3 to %scan3A_5 step %scan3A_6 iter_args(%scan3A_10 = %scan3A) -> (i32)  : i32 {
      %mul3A_11 = arith.constant 16 : i32
      %mul3A_12 = arith.muli %scan3A_9, %mul3A_11 : i32
      %add3A_13 = arith.addi %mul3A_2, %mul3A_12 : i32
      "tpu.region"() ({
        %run_scoped3A = tpu.sem_alloc : memref<!tpu.dma_semaphore, #tpu.memory_space<semaphore_mem>>
        %dma_start3A = arith.constant 0 : i32
        %dma_start3A_22 = tpu.memref_slice %arg2[%add3A_13, %dma_start3A] : memref<8192x2048xf32, #tpu.memory_space<hbm>> -> memref<16x2048xf32, #tpu.memory_space<hbm>>
        %dma_start3A_23 = arith.constant 0 : i32
        %dma_start3A_24 = tpu.memref_slice %arg2[%add3A_13, %dma_start3A_23] : memref<8192x2048xf32, #tpu.memory_space<hbm>> -> memref<16x2048xf32, #tpu.memory_space<hbm>>
        tpu.enqueue_dma source(%dma_start3A_24 : memref<16x2048xf32, #tpu.memory_space<hbm>>) target(%arg4 : memref<16x2048xf32, #tpu.memory_space<vmem>>) target_semaphore(%run_scoped3A : memref<!tpu.dma_semaphore, #tpu.memory_space<semaphore_mem>>)
        %dma_wait3A = arith.constant 0 : i32
        %dma_wait3A_25 = tpu.memref_slice %arg2[%add3A_13, %dma_wait3A] : memref<8192x2048xf32, #tpu.memory_space<hbm>> -> memref<16x2048xf32, #tpu.memory_space<hbm>>
        %dma_wait3A_26 = arith.constant 0 : i32
        %dma_wait3A_27 = tpu.memref_slice %arg2[%add3A_13, %dma_wait3A_26] : memref<8192x2048xf32, #tpu.memory_space<hbm>> -> memref<16x2048xf32, #tpu.memory_space<hbm>>
        tpu.wait_dma2 semaphore(%run_scoped3A : memref<!tpu.dma_semaphore, #tpu.memory_space<semaphore_mem>>) src(%dma_wait3A_27 : memref<16x2048xf32, #tpu.memory_space<hbm>>) dst(%arg4 : memref<16x2048xf32, #tpu.memory_space<vmem>>)
        tpu.yield
      }) : () -> ()
      %scan3A_14 = arith.constant 0 : i32
      %scan3A_15 = arith.constant 0 : i32
      %scan3A_16 = arith.constant 8 : i32
      %scan3A_17 = arith.addi %scan3A_15, %scan3A_16 : i32
      %scan3A_18 = arith.constant 1 : i32
      %scan3A_19 = scf.for %scan3A_22 = %scan3A_15 to %scan3A_17 step %scan3A_18 iter_args(%scan3A_23 = %scan3A_14) -> (i32)  : i32 {
        %mul3A_24 = arith.constant 2 : i32
        %mul3A_25 = arith.muli %mul3A_24, %scan3A_22 : i32
        %mul3A_26 = arith.constant 2 : i32
        %mul3A_27 = arith.muli %mul3A_26, %scan3A_22 : i32
        %add3A_28 = arith.constant 1 : i32
        %add3A_29 = arith.addi %mul3A_27, %add3A_28 : i32
        %mul3A_30 = arith.constant 16 : i32
        %mul3A_31 = arith.muli %scan3A_9, %mul3A_30 : i32
        %add3A_32 = arith.addi %mul3A_2, %mul3A_31 : i32
        %add3A_33 = arith.addi %add3A_32, %mul3A_25 : i32
        %add3A_34 = arith.constant 1 : i32
        %add3A_35 = arith.addi %add3A_33, %add3A_34 : i32
        %jit3A = arith.constant 16 : i32
        %eq3A = arith.constant 0 : i32
        %eq3A_36 = arith.cmpi eq, %jit3A, %eq3A : i32
        %jit3A_37 = arith.constant 1 : i32
        %select_n3A = arith.select %eq3A_36, %jit3A_37, %jit3A : i32
        %rem3A = arith.remsi %add3A_33, %select_n3A : i32
        %ne3A = arith.constant 0 : i32
        %ne3A_38 = arith.cmpi ne, %rem3A, %ne3A : i32
        %lt3A = arith.constant 0 : i32
        %lt3A_39 = arith.cmpi slt, %rem3A, %lt3A : i32
        %lt3A_40 = arith.constant 0 : i32
        %lt3A_41 = arith.cmpi slt, %select_n3A, %lt3A_40 : i32
        %ne3A_42 = arith.xori %lt3A_39, %lt3A_41 : i1
        %and3A = arith.andi %ne3A_42, %ne3A_38 : i1
        %add3A_43 = arith.addi %rem3A, %select_n3A : i32
        %select_n3A_44 = arith.select %and3A, %add3A_43, %rem3A : i32
        %mul3A_45 = arith.constant 2048 : i32
        %mul3A_46 = arith.muli %select_n3A_44, %mul3A_45 : i32
        %jit3A_47 = arith.constant 16 : i32
        %eq3A_48 = arith.constant 0 : i32
        %eq3A_49 = arith.cmpi eq, %jit3A_47, %eq3A_48 : i32
        %jit3A_50 = arith.constant 1 : i32
        %select_n3A_51 = arith.select %eq3A_49, %jit3A_50, %jit3A_47 : i32
        %rem3A_52 = arith.remsi %add3A_35, %select_n3A_51 : i32
        %ne3A_53 = arith.constant 0 : i32
        %ne3A_54 = arith.cmpi ne, %rem3A_52, %ne3A_53 : i32
        %lt3A_55 = arith.constant 0 : i32
        %lt3A_56 = arith.cmpi slt, %rem3A_52, %lt3A_55 : i32
        %lt3A_57 = arith.constant 0 : i32
        %lt3A_58 = arith.cmpi slt, %select_n3A_51, %lt3A_57 : i32
        %ne3A_59 = arith.xori %lt3A_56, %lt3A_58 : i1
        %and3A_60 = arith.andi %ne3A_59, %ne3A_54 : i1
        %add3A_61 = arith.addi %rem3A_52, %select_n3A_51 : i32
        %select_n3A_62 = arith.select %and3A_60, %add3A_61, %rem3A_52 : i32
        %mul3A_63 = arith.constant 2048 : i32
        %mul3A_64 = arith.muli %select_n3A_62, %mul3A_63 : i32
        %scan3A_65 = arith.constant 0 : i32
        %scan3A_66 = arith.constant 0 : i32
        %scan3A_67 = arith.constant 0 : i32
        %scan3A_68 = arith.constant 128 : i32
        %scan3A_69 = arith.addi %scan3A_67, %scan3A_68 : i32
        %scan3A_70 = arith.constant 1 : i32
        %scan3A_71:2 = scf.for %scan3A_193 = %scan3A_67 to %scan3A_69 step %scan3A_70 iter_args(%scan3A_194 = %scan3A_65, %scan3A_195 = %scan3A_66) -> (i32, i32)  : i32 {
          %mul3A_196 = arith.constant 16 : i32
          %mul3A_197 = arith.muli %scan3A_193, %mul3A_196 : i32
          %get3A_198 = arith.index_cast %mul3A_25 : i32 to index
          %get3A_199 = arith.index_cast %mul3A_197 : i32 to index
          %get3A_200 = tpu.vector_load %arg4[%get3A_198, %get3A_199] {strides = array<i32>} : memref<16x2048xf32, #tpu.memory_space<vmem>>, vector<16xf32>,
          %mul3A_201 = arith.constant 16 : i32
          %mul3A_202 = arith.muli %scan3A_193, %mul3A_201 : i32
          %get3A_203 = arith.index_cast %add3A_29 : i32 to index
          %get3A_204 = arith.index_cast %mul3A_202 : i32 to index
          %get3A_205 = tpu.vector_load %arg4[%get3A_203, %get3A_204] {strides = array<i32>} : memref<16x2048xf32, #tpu.memory_space<vmem>>, vector<16xf32>,
          %lt3A_206 = arith.constant 4.000000e-02 : f32
          %lt3A_207 = vector.broadcast %lt3A_206 : f32 to vector<16xf32>
          %lt3A_208 = arith.cmpf olt, %get3A_200, %lt3A_207 : vector<16xf32>
          %lt3A_209 = arith.constant 4.000000e-02 : f32
          %lt3A_210 = vector.broadcast %lt3A_209 : f32 to vector<16xf32>
          %lt3A_211 = arith.cmpf olt, %get3A_205, %lt3A_210 : vector<16xf32>
          %iota3A_212 = tpu.iota {dimensions = array<i32: 0>} : vector<16xi32>
          %mul3A_213 = arith.constant 16 : i32
          %mul3A_214 = arith.muli %scan3A_193, %mul3A_213 : i32
          %add3A_215 = vector.broadcast %mul3A_214 : i32 to vector<16xi32>
          %add3A_216 = arith.addi %iota3A_212, %add3A_215 : vector<16xi32>
          %convert_element_type3A = arith.extui %lt3A_208 : vector<16xi1> to vector<16xi32>
          %broadcast_in_dim3A_217 = arith.constant true
          %broadcast_in_dim3A_218 = vector.broadcast %broadcast_in_dim3A_217 : i1 to vector<16xi1>
          %masked_cumsum3A = tpu.scan <sum>, %convert_element_type3A masked %broadcast_in_dim3A_218 : vector<16xi32>, vector<16xi1> -> vector<16xi32>
          %convert_element_type3A_219 = arith.extui %lt3A_211 : vector<16xi1> to vector<16xi32>
          %broadcast_in_dim3A_220 = arith.constant true
          %broadcast_in_dim3A_221 = vector.broadcast %broadcast_in_dim3A_220 : i1 to vector<16xi1>
          %masked_cumsum3A_222 = tpu.scan <sum>, %convert_element_type3A_219 masked %broadcast_in_dim3A_221 : vector<16xi32>, vector<16xi1> -> vector<16xi32>
          %add3A_223 = vector.broadcast %scan3A_194 : i32 to vector<16xi32>
          %add3A_224 = arith.addi %add3A_223, %masked_cumsum3A : vector<16xi32>
          %sub3A = arith.constant 1 : i32
          %sub3A_225 = vector.broadcast %sub3A : i32 to vector<16xi32>
          %sub3A_226 = arith.subi %add3A_224, %sub3A_225 : vector<16xi32>
          %add3A_227 = vector.broadcast %mul3A_46 : i32 to vector<16xi32>
          %add3A_228 = arith.addi %add3A_216, %add3A_227 : vector<16xi32>
          tpu.vector_store_idx %arg5[%sub3A_226], %add3A_228 masked %lt3A_208 : memref<2064xi32, #tpu.memory_space<vmem>>[vector<16xi32>], vector<16xi32>, vector<16xi1>
          %add3A_229 = vector.broadcast %scan3A_195 : i32 to vector<16xi32>
          %add3A_230 = arith.addi %add3A_229, %masked_cumsum3A_222 : vector<16xi32>
          %sub3A_231 = arith.constant 1 : i32
          %sub3A_232 = vector.broadcast %sub3A_231 : i32 to vector<16xi32>
          %sub3A_233 = arith.subi %add3A_230, %sub3A_232 : vector<16xi32>
          %add3A_234 = vector.broadcast %mul3A_64 : i32 to vector<16xi32>
          %add3A_235 = arith.addi %add3A_216, %add3A_234 : vector<16xi32>
          tpu.vector_store_idx %arg6[%sub3A_233], %add3A_235 masked %lt3A_211 : memref<2064xi32, #tpu.memory_space<vmem>>[vector<16xi32>], vector<16xi32>, vector<16xi1>
          %slice3A_236 = vector.extract_strided_slice %masked_cumsum3A {offsets = [15], sizes = [1], strides = [1]} : vector<16xi32> to vector<1xi32>
          %squeeze3A_237 = vector.extract %slice3A_236[0] : i32 from vector<1xi32>
          %add3A_238 = arith.addi %scan3A_194, %squeeze3A_237 : i32
          %slice3A_239 = vector.extract_strided_slice %masked_cumsum3A_222 {offsets = [15], sizes = [1], strides = [1]} : vector<16xi32> to vector<1xi32>
          %squeeze3A_240 = vector.extract %slice3A_239[0] : i32 from vector<1xi32>
          %add3A_241 = arith.addi %scan3A_195, %squeeze3A_240 : i32
          scf.yield %add3A_238, %add3A_241 : i32, i32
        }
        %scan3A_72 = arith.constant 128 : i32
        %gt3A = arith.constant 0 : i32
        %gt3A_73 = arith.cmpi sgt, %scan3A_71#0, %gt3A : i32
        %get3A = arith.constant 0 : index
        %get3A_74 = tpu.vector_load %arg5[%get3A] {strides = array<i32>} : memref<2064xi32, #tpu.memory_space<vmem>>, vector<16xi32>,
        %slice3A = vector.extract_strided_slice %get3A_74 {offsets = [0], sizes = [1], strides = [1]} : vector<16xi32> to vector<1xi32>
        %squeeze3A = vector.extract %slice3A[0] : i32 from vector<1xi32>
        %select_n3A_75 = arith.select %gt3A_73, %squeeze3A, %mul3A_46 : i32
        %gt3A_76 = arith.constant 0 : i32
        %gt3A_77 = arith.cmpi sgt, %scan3A_71#1, %gt3A_76 : i32
        %get3A_78 = arith.constant 0 : index
        %get3A_79 = tpu.vector_load %arg6[%get3A_78] {strides = array<i32>} : memref<2064xi32, #tpu.memory_space<vmem>>, vector<16xi32>,
        %slice3A_80 = vector.extract_strided_slice %get3A_79 {offsets = [0], sizes = [1], strides = [1]} : vector<16xi32> to vector<1xi32>
        %squeeze3A_81 = vector.extract %slice3A_80[0] : i32 from vector<1xi32>
        %select_n3A_82 = arith.select %gt3A_77, %squeeze3A_81, %mul3A_64 : i32
        %iota3A = tpu.iota {dimensions = array<i32: 0>} : vector<16xi32>
        %add3A_83 = arith.constant 0 : i32
        %add3A_84 = vector.broadcast %add3A_83 : i32 to vector<16xi32>
        %add3A_85 = arith.addi %iota3A, %add3A_84 : vector<16xi32>
        %lt3A_86 = vector.broadcast %scan3A_71#0 : i32 to vector<16xi32>
        %lt3A_87 = arith.cmpi slt, %add3A_85, %lt3A_86 : vector<16xi32>
        %get3A_88 = arith.constant 0 : index
        %get3A_89 = tpu.vector_load %arg5[%get3A_88] {strides = array<i32>} : memref<2064xi32, #tpu.memory_space<vmem>>, vector<16xi32>,
        %broadcast_in_dim3A = vector.broadcast %select_n3A_75 : i32 to vector<16xi32>
        %select_n3A_90 = arith.select %lt3A_87, %get3A_89, %broadcast_in_dim3A : vector<16xi1>, vector<16xi32>
        %mul3A_91 = arith.constant 16 : i32
        %mul3A_92 = arith.muli %scan3A_9, %mul3A_91 : i32
        %add3A_93 = arith.addi %mul3A_92, %mul3A_25 : i32
        %swap3A = arith.index_cast %add3A_93 : i32 to index
        %swap3A_94 = arith.constant 0 : index
        %swap3A_95 = tpu.vector_load %arg7[%swap3A, %swap3A_94] {strides = array<i32>} : memref<256x64xi32, #tpu.memory_space<vmem>>, vector<16xi32>,
        tpu.vector_store %arg7[%swap3A, %swap3A_94], %select_n3A_90 {strides = array<i32>} : memref<256x64xi32, #tpu.memory_space<vmem>>, vector<16xi32>,
        %lt3A_96 = vector.broadcast %scan3A_71#1 : i32 to vector<16xi32>
        %lt3A_97 = arith.cmpi slt, %add3A_85, %lt3A_96 : vector<16xi32>
        %get3A_98 = arith.constant 0 : index
        %get3A_99 = tpu.vector_load %arg6[%get3A_98] {strides = array<i32>} : memref<2064xi32, #tpu.memory_space<vmem>>, vector<16xi32>,
        %broadcast_in_dim3A_100 = vector.broadcast %select_n3A_82 : i32 to vector<16xi32>
        %select_n3A_101 = arith.select %lt3A_97, %get3A_99, %broadcast_in_dim3A_100 : vector<16xi1>, vector<16xi32>
        %mul3A_102 = arith.constant 16 : i32
        %mul3A_103 = arith.muli %scan3A_9, %mul3A_102 : i32
        %add3A_104 = arith.addi %mul3A_103, %add3A_29 : i32
        %swap3A_105 = arith.index_cast %add3A_104 : i32 to index
        %swap3A_106 = arith.constant 0 : index
        %swap3A_107 = tpu.vector_load %arg7[%swap3A_105, %swap3A_106] {strides = array<i32>} : memref<256x64xi32, #tpu.memory_space<vmem>>, vector<16xi32>,
        tpu.vector_store %arg7[%swap3A_105, %swap3A_106], %select_n3A_101 {strides = array<i32>} : memref<256x64xi32, #tpu.memory_space<vmem>>, vector<16xi32>,
        %iota3A_108 = tpu.iota {dimensions = array<i32: 0>} : vector<16xi32>
        %add3A_109 = arith.constant 16 : i32
        %add3A_110 = vector.broadcast %add3A_109 : i32 to vector<16xi32>
        %add3A_111 = arith.addi %iota3A_108, %add3A_110 : vector<16xi32>
        %lt3A_112 = vector.broadcast %scan3A_71#0 : i32 to vector<16xi32>
        %lt3A_113 = arith.cmpi slt, %add3A_111, %lt3A_112 : vector<16xi32>
        %get3A_114 = arith.constant 16 : index
        %get3A_115 = tpu.vector_load %arg5[%get3A_114] {strides = array<i32>} : memref<2064xi32, #tpu.memory_space<vmem>>, vector<16xi32>,
        %broadcast_in_dim3A_116 = vector.broadcast %select_n3A_75 : i32 to vector<16xi32>
        %select_n3A_117 = arith.select %lt3A_113, %get3A_115, %broadcast_in_dim3A_116 : vector<16xi1>, vector<16xi32>
        %mul3A_118 = arith.constant 16 : i32
        %mul3A_119 = arith.muli %scan3A_9, %mul3A_118 : i32
        %add3A_120 = arith.addi %mul3A_119, %mul3A_25 : i32
        %swap3A_121 = arith.index_cast %add3A_120 : i32 to index
        %swap3A_122 = arith.constant 16 : index
        %swap3A_123 = tpu.vector_load %arg7[%swap3A_121, %swap3A_122] {strides = array<i32>} : memref<256x64xi32, #tpu.memory_space<vmem>>, vector<16xi32>,
        tpu.vector_store %arg7[%swap3A_121, %swap3A_122], %select_n3A_117 {strides = array<i32>} : memref<256x64xi32, #tpu.memory_space<vmem>>, vector<16xi32>,
        %lt3A_124 = vector.broadcast %scan3A_71#1 : i32 to vector<16xi32>
        %lt3A_125 = arith.cmpi slt, %add3A_111, %lt3A_124 : vector<16xi32>
        %get3A_126 = arith.constant 16 : index
        %get3A_127 = tpu.vector_load %arg6[%get3A_126] {strides = array<i32>} : memref<2064xi32, #tpu.memory_space<vmem>>, vector<16xi32>,
        %broadcast_in_dim3A_128 = vector.broadcast %select_n3A_82 : i32 to vector<16xi32>
        %select_n3A_129 = arith.select %lt3A_125, %get3A_127, %broadcast_in_dim3A_128 : vector<16xi1>, vector<16xi32>
        %mul3A_130 = arith.constant 16 : i32
        %mul3A_131 = arith.muli %scan3A_9, %mul3A_130 : i32
        %add3A_132 = arith.addi %mul3A_131, %add3A_29 : i32
        %swap3A_133 = arith.index_cast %add3A_132 : i32 to index
        %swap3A_134 = arith.constant 16 : index
        %swap3A_135 = tpu.vector_load %arg7[%swap3A_133, %swap3A_134] {strides = array<i32>} : memref<256x64xi32, #tpu.memory_space<vmem>>, vector<16xi32>,
        tpu.vector_store %arg7[%swap3A_133, %swap3A_134], %select_n3A_129 {strides = array<i32>} : memref<256x64xi32, #tpu.memory_space<vmem>>, vector<16xi32>,
        %iota3A_136 = tpu.iota {dimensions = array<i32: 0>} : vector<16xi32>
        %add3A_137 = arith.constant 32 : i32
        %add3A_138 = vector.broadcast %add3A_137 : i32 to vector<16xi32>
        %add3A_139 = arith.addi %iota3A_136, %add3A_138 : vector<16xi32>
        %lt3A_140 = vector.broadcast %scan3A_71#0 : i32 to vector<16xi32>
        %lt3A_141 = arith.cmpi slt, %add3A_139, %lt3A_140 : vector<16xi32>
        %get3A_142 = arith.constant 32 : index
        %get3A_143 = tpu.vector_load %arg5[%get3A_142] {strides = array<i32>} : memref<2064xi32, #tpu.memory_space<vmem>>, vector<16xi32>,
        %broadcast_in_dim3A_144 = vector.broadcast %select_n3A_75 : i32 to vector<16xi32>
        %select_n3A_145 = arith.select %lt3A_141, %get3A_143, %broadcast_in_dim3A_144 : vector<16xi1>, vector<16xi32>
        %mul3A_146 = arith.constant 16 : i32
        %mul3A_147 = arith.muli %scan3A_9, %mul3A_146 : i32
        %add3A_148 = arith.addi %mul3A_147, %mul3A_25 : i32
        %swap3A_149 = arith.index_cast %add3A_148 : i32 to index
        %swap3A_150 = arith.constant 32 : index
        %swap3A_151 = tpu.vector_load %arg7[%swap3A_149, %swap3A_150] {strides = array<i32>} : memref<256x64xi32, #tpu.memory_space<vmem>>, vector<16xi32>,
        tpu.vector_store %arg7[%swap3A_149, %swap3A_150], %select_n3A_145 {strides = array<i32>} : memref<256x64xi32, #tpu.memory_space<vmem>>, vector<16xi32>,
        %lt3A_152 = vector.broadcast %scan3A_71#1 : i32 to vector<16xi32>
        %lt3A_153 = arith.cmpi slt, %add3A_139, %lt3A_152 : vector<16xi32>
        %get3A_154 = arith.constant 32 : index
        %get3A_155 = tpu.vector_load %arg6[%get3A_154] {strides = array<i32>} : memref<2064xi32, #tpu.memory_space<vmem>>, vector<16xi32>,
        %broadcast_in_dim3A_156 = vector.broadcast %select_n3A_82 : i32 to vector<16xi32>
        %select_n3A_157 = arith.select %lt3A_153, %get3A_155, %broadcast_in_dim3A_156 : vector<16xi1>, vector<16xi32>
        %mul3A_158 = arith.constant 16 : i32
        %mul3A_159 = arith.muli %scan3A_9, %mul3A_158 : i32
        %add3A_160 = arith.addi %mul3A_159, %add3A_29 : i32
        %swap3A_161 = arith.index_cast %add3A_160 : i32 to index
        %swap3A_162 = arith.constant 32 : index
        %swap3A_163 = tpu.vector_load %arg7[%swap3A_161, %swap3A_162] {strides = array<i32>} : memref<256x64xi32, #tpu.memory_space<vmem>>, vector<16xi32>,
        tpu.vector_store %arg7[%swap3A_161, %swap3A_162], %select_n3A_157 {strides = array<i32>} : memref<256x64xi32, #tpu.memory_space<vmem>>, vector<16xi32>,
        %iota3A_164 = tpu.iota {dimensions = array<i32: 0>} : vector<16xi32>
        %add3A_165 = arith.constant 48 : i32
        %add3A_166 = vector.broadcast %add3A_165 : i32 to vector<16xi32>
        %add3A_167 = arith.addi %iota3A_164, %add3A_166 : vector<16xi32>
        %lt3A_168 = vector.broadcast %scan3A_71#0 : i32 to vector<16xi32>
        %lt3A_169 = arith.cmpi slt, %add3A_167, %lt3A_168 : vector<16xi32>
        %get3A_170 = arith.constant 48 : index
        %get3A_171 = tpu.vector_load %arg5[%get3A_170] {strides = array<i32>} : memref<2064xi32, #tpu.memory_space<vmem>>, vector<16xi32>,
        %broadcast_in_dim3A_172 = vector.broadcast %select_n3A_75 : i32 to vector<16xi32>
        %select_n3A_173 = arith.select %lt3A_169, %get3A_171, %broadcast_in_dim3A_172 : vector<16xi1>, vector<16xi32>
        %mul3A_174 = arith.constant 16 : i32
        %mul3A_175 = arith.muli %scan3A_9, %mul3A_174 : i32
        %add3A_176 = arith.addi %mul3A_175, %mul3A_25 : i32
        %swap3A_177 = arith.index_cast %add3A_176 : i32 to index
        %swap3A_178 = arith.constant 48 : index
        %swap3A_179 = tpu.vector_load %arg7[%swap3A_177, %swap3A_178] {strides = array<i32>} : memref<256x64xi32, #tpu.memory_space<vmem>>, vector<16xi32>,
        tpu.vector_store %arg7[%swap3A_177, %swap3A_178], %select_n3A_173 {strides = array<i32>} : memref<256x64xi32, #tpu.memory_space<vmem>>, vector<16xi32>,
        %lt3A_180 = vector.broadcast %scan3A_71#1 : i32 to vector<16xi32>
        %lt3A_181 = arith.cmpi slt, %add3A_167, %lt3A_180 : vector<16xi32>
        %get3A_182 = arith.constant 48 : index
        %get3A_183 = tpu.vector_load %arg6[%get3A_182] {strides = array<i32>} : memref<2064xi32, #tpu.memory_space<vmem>>, vector<16xi32>,
        %broadcast_in_dim3A_184 = vector.broadcast %select_n3A_82 : i32 to vector<16xi32>
        %select_n3A_185 = arith.select %lt3A_181, %get3A_183, %broadcast_in_dim3A_184 : vector<16xi1>, vector<16xi32>
        %mul3A_186 = arith.constant 16 : i32
        %mul3A_187 = arith.muli %scan3A_9, %mul3A_186 : i32
        %add3A_188 = arith.addi %mul3A_187, %add3A_29 : i32
        %swap3A_189 = arith.index_cast %add3A_188 : i32 to index
        %swap3A_190 = arith.constant 48 : index
        %swap3A_191 = tpu.vector_load %arg7[%swap3A_189, %swap3A_190] {strides = array<i32>} : memref<256x64xi32, #tpu.memory_space<vmem>>, vector<16xi32>,
        tpu.vector_store %arg7[%swap3A_189, %swap3A_190], %select_n3A_185 {strides = array<i32>} : memref<256x64xi32, #tpu.memory_space<vmem>>, vector<16xi32>,
        %scan3A_192 = arith.constant 0 : i32
        scf.yield %scan3A_192 : i32
      }
      %scan3A_20 = arith.constant 8 : i32
      %scan3A_21 = arith.constant 0 : i32
      scf.yield %scan3A_21 : i32
    }
    %scan3A_8 = arith.constant 16 : i32
    "tpu.region"() ({
      %run_scoped3A = tpu.sem_alloc : memref<!tpu.dma_semaphore, #tpu.memory_space<semaphore_mem>>
      %dma_start3A = arith.constant 0 : i32
      %dma_start3A_9 = tpu.memref_slice %arg3[%mul3A_2, %dma_start3A] : memref<8192x64xi32, #tpu.memory_space<hbm>> -> memref<256x64xi32, #tpu.memory_space<hbm>>
      %dma_start3A_10 = arith.constant 0 : i32
      %dma_start3A_11 = tpu.memref_slice %arg3[%mul3A_2, %dma_start3A_10] : memref<8192x64xi32, #tpu.memory_space<hbm>> -> memref<256x64xi32, #tpu.memory_space<hbm>>
      tpu.enqueue_dma source(%arg7 : memref<256x64xi32, #tpu.memory_space<vmem>>) target(%dma_start3A_11 : memref<256x64xi32, #tpu.memory_space<hbm>>) target_semaphore(%run_scoped3A : memref<!tpu.dma_semaphore, #tpu.memory_space<semaphore_mem>>)
      %dma_wait3A = arith.constant 0 : i32
      %dma_wait3A_12 = tpu.memref_slice %arg3[%mul3A_2, %dma_wait3A] : memref<8192x64xi32, #tpu.memory_space<hbm>> -> memref<256x64xi32, #tpu.memory_space<hbm>>
      %dma_wait3A_13 = arith.constant 0 : i32
      %dma_wait3A_14 = tpu.memref_slice %arg3[%mul3A_2, %dma_wait3A_13] : memref<8192x64xi32, #tpu.memory_space<hbm>> -> memref<256x64xi32, #tpu.memory_space<hbm>>
      tpu.wait_dma2 semaphore(%run_scoped3A : memref<!tpu.dma_semaphore, #tpu.memory_space<semaphore_mem>>) src(%arg7 : memref<256x64xi32, #tpu.memory_space<vmem>>) dst(%dma_wait3A_14 : memref<256x64xi32, #tpu.memory_space<hbm>>)
      tpu.yield
    }) : () -> ()
    return
  }
}

#map = affine_map<(d0, d1) -> (0, 0)>
#map1 = affine_map<(d0, d1) -> (0, 0, 0)>
module attributes {stable_mosaic.version = 14 : i64} {
  func.func @_gather_body(%arg0: i32, %arg1: i32, %arg2: memref<32768x64xf32, #tpu.memory_space<hbm>>, %arg3: memref<512x8x128xi32, #tpu.memory_space<hbm>>, %arg4: memref<524288x64xf32, #tpu.memory_space<hbm>>, %arg5: memref<8x128xi32, #tpu.memory_space<vmem>>, %arg6: memref<1024x64xf32, #tpu.memory_space<vmem>>, %arg7: memref<!tpu.dma_semaphore, #tpu.memory_space<semaphore_mem>>) attributes {dimension_semantics = [#tpu.dimension_semantics<core_parallel>, #tpu.dimension_semantics<subcore_parallel>], iteration_bounds = array<i64: 2, 16>, scalar_prefetch = 0 : i64, scratch_operands = 3 : i64, tpu.core_type = #tpu.core_type<sc_vector_subcore>, window_params = [{transform_indices = #map}, {transform_indices = #map1}, {transform_indices = #map}]} {
    %mul3A = arith.constant 2 : i32
    %mul3A_0 = arith.muli %arg1, %mul3A : i32
    %add3A = arith.addi %mul3A_0, %arg0 : i32
    %mul3A_1 = arith.constant 16384 : i32
    %mul3A_2 = arith.muli %add3A, %mul3A_1 : i32
    %scan3A = arith.constant 0 : i32
    %scan3A_3 = arith.constant 0 : i32
    %scan3A_4 = arith.constant 16 : i32
    %scan3A_5 = arith.addi %scan3A_3, %scan3A_4 : i32
    %scan3A_6 = arith.constant 1 : i32
    %scan3A_7 = scf.for %scan3A_9 = %scan3A_3 to %scan3A_5 step %scan3A_6 iter_args(%scan3A_10 = %scan3A) -> (i32)  : i32 {
      %mul3A_11 = arith.constant 1024 : i32
      %mul3A_12 = arith.muli %scan3A_9, %mul3A_11 : i32
      %add3A_13 = arith.addi %mul3A_2, %mul3A_12 : i32
      %mul3A_14 = arith.constant 16 : i32
      %mul3A_15 = arith.muli %add3A, %mul3A_14 : i32
      %add3A_16 = arith.addi %scan3A_9, %mul3A_15 : i32
      "tpu.region"() ({
        %run_scoped3A = tpu.sem_alloc : memref<!tpu.dma_semaphore, #tpu.memory_space<semaphore_mem>>
        %dma_start3A_176 = arith.constant 0 : i32
        %dma_start3A_177 = arith.constant 0 : i32
        %dma_start3A_178 = tpu.memref_slice %arg3[%add3A_16, %dma_start3A_176, %dma_start3A_177] : memref<512x8x128xi32, #tpu.memory_space<hbm>> -> memref<1x8x128xi32, #tpu.memory_space<hbm>>
        %dma_start3A_179 = tpu.memref_squeeze %dma_start3A_178 : memref<1x8x128xi32, #tpu.memory_space<hbm>> -> memref<8x128xi32, #tpu.memory_space<hbm>>
        %dma_start3A_180 = arith.constant 0 : i32
        %dma_start3A_181 = arith.constant 0 : i32
        %dma_start3A_182 = tpu.memref_slice %arg3[%add3A_16, %dma_start3A_180, %dma_start3A_181] : memref<512x8x128xi32, #tpu.memory_space<hbm>> -> memref<1x8x128xi32, #tpu.memory_space<hbm>>
        %dma_start3A_183 = tpu.memref_squeeze %dma_start3A_182 : memref<1x8x128xi32, #tpu.memory_space<hbm>> -> memref<8x128xi32, #tpu.memory_space<hbm>>
        tpu.enqueue_dma source(%dma_start3A_183 : memref<8x128xi32, #tpu.memory_space<hbm>>) target(%arg5 : memref<8x128xi32, #tpu.memory_space<vmem>>) target_semaphore(%run_scoped3A : memref<!tpu.dma_semaphore, #tpu.memory_space<semaphore_mem>>)
        %dma_wait3A_184 = arith.constant 0 : i32
        %dma_wait3A_185 = arith.constant 0 : i32
        %dma_wait3A_186 = tpu.memref_slice %arg3[%add3A_16, %dma_wait3A_184, %dma_wait3A_185] : memref<512x8x128xi32, #tpu.memory_space<hbm>> -> memref<1x8x128xi32, #tpu.memory_space<hbm>>
        %dma_wait3A_187 = tpu.memref_squeeze %dma_wait3A_186 : memref<1x8x128xi32, #tpu.memory_space<hbm>> -> memref<8x128xi32, #tpu.memory_space<hbm>>
        %dma_wait3A_188 = arith.constant 0 : i32
        %dma_wait3A_189 = arith.constant 0 : i32
        %dma_wait3A_190 = tpu.memref_slice %arg3[%add3A_16, %dma_wait3A_188, %dma_wait3A_189] : memref<512x8x128xi32, #tpu.memory_space<hbm>> -> memref<1x8x128xi32, #tpu.memory_space<hbm>>
        %dma_wait3A_191 = tpu.memref_squeeze %dma_wait3A_190 : memref<1x8x128xi32, #tpu.memory_space<hbm>> -> memref<8x128xi32, #tpu.memory_space<hbm>>
        tpu.wait_dma2 semaphore(%run_scoped3A : memref<!tpu.dma_semaphore, #tpu.memory_space<semaphore_mem>>) src(%dma_wait3A_191 : memref<8x128xi32, #tpu.memory_space<hbm>>) dst(%arg5 : memref<8x128xi32, #tpu.memory_space<vmem>>)
        tpu.yield
      }) : () -> ()
      %dma_start3A = arith.constant 0 : i32
      %dma_start3A_17 = arith.constant 0 : i32
      %dma_start3A_18 = arith.constant 0 : i32
      %dma_start3A_19 = tpu.memref_slice %arg6[%dma_start3A_17, %dma_start3A_18] : memref<1024x64xf32, #tpu.memory_space<vmem>> -> memref<128x64xf32, #tpu.memory_space<vmem>>
      %dma_start3A_20 = arith.constant 0 : i32
      %dma_start3A_21 = tpu.memref_slice %arg5[%dma_start3A, %dma_start3A_20] : memref<8x128xi32, #tpu.memory_space<vmem>> -> memref<1x128xi32, #tpu.memory_space<vmem>>
      %dma_start3A_22 = tpu.memref_squeeze %dma_start3A_21 : memref<1x128xi32, #tpu.memory_space<vmem>> -> memref<128xi32, #tpu.memory_space<vmem>>
      %dma_start3A_23 = arith.constant 0 : i32
      %dma_start3A_24 = arith.constant 0 : i32
      %dma_start3A_25 = tpu.memref_slice %arg2[%dma_start3A_23, %dma_start3A_24] : memref<32768x64xf32, #tpu.memory_space<hbm>> -> memref<32768x64xf32, #tpu.memory_space<hbm>>
      tpu.enqueue_indirect_dma source(%dma_start3A_25 : memref<32768x64xf32, #tpu.memory_space<hbm>>) target(%dma_start3A_19 : memref<128x64xf32, #tpu.memory_space<vmem>>) offsets(%dma_start3A_22 : memref<128xi32, #tpu.memory_space<vmem>>) semaphore(%arg7 : memref<!tpu.dma_semaphore, #tpu.memory_space<semaphore_mem>>)
      %dma_start3A_26 = arith.constant 1 : i32
      %dma_start3A_27 = arith.constant 128 : i32
      %dma_start3A_28 = arith.constant 0 : i32
      %dma_start3A_29 = tpu.memref_slice %arg6[%dma_start3A_27, %dma_start3A_28] : memref<1024x64xf32, #tpu.memory_space<vmem>> -> memref<128x64xf32, #tpu.memory_space<vmem>>
      %dma_start3A_30 = arith.constant 0 : i32
      %dma_start3A_31 = tpu.memref_slice %arg5[%dma_start3A_26, %dma_start3A_30] : memref<8x128xi32, #tpu.memory_space<vmem>> -> memref<1x128xi32, #tpu.memory_space<vmem>>
      %dma_start3A_32 = tpu.memref_squeeze %dma_start3A_31 : memref<1x128xi32, #tpu.memory_space<vmem>> -> memref<128xi32, #tpu.memory_space<vmem>>
      %dma_start3A_33 = arith.constant 0 : i32
      %dma_start3A_34 = arith.constant 0 : i32
      %dma_start3A_35 = tpu.memref_slice %arg2[%dma_start3A_33, %dma_start3A_34] : memref<32768x64xf32, #tpu.memory_space<hbm>> -> memref<32768x64xf32, #tpu.memory_space<hbm>>
      tpu.enqueue_indirect_dma source(%dma_start3A_35 : memref<32768x64xf32, #tpu.memory_space<hbm>>) target(%dma_start3A_29 : memref<128x64xf32, #tpu.memory_space<vmem>>) offsets(%dma_start3A_32 : memref<128xi32, #tpu.memory_space<vmem>>) semaphore(%arg7 : memref<!tpu.dma_semaphore, #tpu.memory_space<semaphore_mem>>)
      %dma_start3A_36 = arith.constant 2 : i32
      %dma_start3A_37 = arith.constant 256 : i32
      %dma_start3A_38 = arith.constant 0 : i32
      %dma_start3A_39 = tpu.memref_slice %arg6[%dma_start3A_37, %dma_start3A_38] : memref<1024x64xf32, #tpu.memory_space<vmem>> -> memref<128x64xf32, #tpu.memory_space<vmem>>
      %dma_start3A_40 = arith.constant 0 : i32
      %dma_start3A_41 = tpu.memref_slice %arg5[%dma_start3A_36, %dma_start3A_40] : memref<8x128xi32, #tpu.memory_space<vmem>> -> memref<1x128xi32, #tpu.memory_space<vmem>>
      %dma_start3A_42 = tpu.memref_squeeze %dma_start3A_41 : memref<1x128xi32, #tpu.memory_space<vmem>> -> memref<128xi32, #tpu.memory_space<vmem>>
      %dma_start3A_43 = arith.constant 0 : i32
      %dma_start3A_44 = arith.constant 0 : i32
      %dma_start3A_45 = tpu.memref_slice %arg2[%dma_start3A_43, %dma_start3A_44] : memref<32768x64xf32, #tpu.memory_space<hbm>> -> memref<32768x64xf32, #tpu.memory_space<hbm>>
      tpu.enqueue_indirect_dma source(%dma_start3A_45 : memref<32768x64xf32, #tpu.memory_space<hbm>>) target(%dma_start3A_39 : memref<128x64xf32, #tpu.memory_space<vmem>>) offsets(%dma_start3A_42 : memref<128xi32, #tpu.memory_space<vmem>>) semaphore(%arg7 : memref<!tpu.dma_semaphore, #tpu.memory_space<semaphore_mem>>)
      %dma_start3A_46 = arith.constant 3 : i32
      %dma_start3A_47 = arith.constant 384 : i32
      %dma_start3A_48 = arith.constant 0 : i32
      %dma_start3A_49 = tpu.memref_slice %arg6[%dma_start3A_47, %dma_start3A_48] : memref<1024x64xf32, #tpu.memory_space<vmem>> -> memref<128x64xf32, #tpu.memory_space<vmem>>
      %dma_start3A_50 = arith.constant 0 : i32
      %dma_start3A_51 = tpu.memref_slice %arg5[%dma_start3A_46, %dma_start3A_50] : memref<8x128xi32, #tpu.memory_space<vmem>> -> memref<1x128xi32, #tpu.memory_space<vmem>>
      %dma_start3A_52 = tpu.memref_squeeze %dma_start3A_51 : memref<1x128xi32, #tpu.memory_space<vmem>> -> memref<128xi32, #tpu.memory_space<vmem>>
      %dma_start3A_53 = arith.constant 0 : i32
      %dma_start3A_54 = arith.constant 0 : i32
      %dma_start3A_55 = tpu.memref_slice %arg2[%dma_start3A_53, %dma_start3A_54] : memref<32768x64xf32, #tpu.memory_space<hbm>> -> memref<32768x64xf32, #tpu.memory_space<hbm>>
      tpu.enqueue_indirect_dma source(%dma_start3A_55 : memref<32768x64xf32, #tpu.memory_space<hbm>>) target(%dma_start3A_49 : memref<128x64xf32, #tpu.memory_space<vmem>>) offsets(%dma_start3A_52 : memref<128xi32, #tpu.memory_space<vmem>>) semaphore(%arg7 : memref<!tpu.dma_semaphore, #tpu.memory_space<semaphore_mem>>)
      %dma_start3A_56 = arith.constant 4 : i32
      %dma_start3A_57 = arith.constant 512 : i32
      %dma_start3A_58 = arith.constant 0 : i32
      %dma_start3A_59 = tpu.memref_slice %arg6[%dma_start3A_57, %dma_start3A_58] : memref<1024x64xf32, #tpu.memory_space<vmem>> -> memref<128x64xf32, #tpu.memory_space<vmem>>
      %dma_start3A_60 = arith.constant 0 : i32
      %dma_start3A_61 = tpu.memref_slice %arg5[%dma_start3A_56, %dma_start3A_60] : memref<8x128xi32, #tpu.memory_space<vmem>> -> memref<1x128xi32, #tpu.memory_space<vmem>>
      %dma_start3A_62 = tpu.memref_squeeze %dma_start3A_61 : memref<1x128xi32, #tpu.memory_space<vmem>> -> memref<128xi32, #tpu.memory_space<vmem>>
      %dma_start3A_63 = arith.constant 0 : i32
      %dma_start3A_64 = arith.constant 0 : i32
      %dma_start3A_65 = tpu.memref_slice %arg2[%dma_start3A_63, %dma_start3A_64] : memref<32768x64xf32, #tpu.memory_space<hbm>> -> memref<32768x64xf32, #tpu.memory_space<hbm>>
      tpu.enqueue_indirect_dma source(%dma_start3A_65 : memref<32768x64xf32, #tpu.memory_space<hbm>>) target(%dma_start3A_59 : memref<128x64xf32, #tpu.memory_space<vmem>>) offsets(%dma_start3A_62 : memref<128xi32, #tpu.memory_space<vmem>>) semaphore(%arg7 : memref<!tpu.dma_semaphore, #tpu.memory_space<semaphore_mem>>)
      %dma_start3A_66 = arith.constant 5 : i32
      %dma_start3A_67 = arith.constant 640 : i32
      %dma_start3A_68 = arith.constant 0 : i32
      %dma_start3A_69 = tpu.memref_slice %arg6[%dma_start3A_67, %dma_start3A_68] : memref<1024x64xf32, #tpu.memory_space<vmem>> -> memref<128x64xf32, #tpu.memory_space<vmem>>
      %dma_start3A_70 = arith.constant 0 : i32
      %dma_start3A_71 = tpu.memref_slice %arg5[%dma_start3A_66, %dma_start3A_70] : memref<8x128xi32, #tpu.memory_space<vmem>> -> memref<1x128xi32, #tpu.memory_space<vmem>>
      %dma_start3A_72 = tpu.memref_squeeze %dma_start3A_71 : memref<1x128xi32, #tpu.memory_space<vmem>> -> memref<128xi32, #tpu.memory_space<vmem>>
      %dma_start3A_73 = arith.constant 0 : i32
      %dma_start3A_74 = arith.constant 0 : i32
      %dma_start3A_75 = tpu.memref_slice %arg2[%dma_start3A_73, %dma_start3A_74] : memref<32768x64xf32, #tpu.memory_space<hbm>> -> memref<32768x64xf32, #tpu.memory_space<hbm>>
      tpu.enqueue_indirect_dma source(%dma_start3A_75 : memref<32768x64xf32, #tpu.memory_space<hbm>>) target(%dma_start3A_69 : memref<128x64xf32, #tpu.memory_space<vmem>>) offsets(%dma_start3A_72 : memref<128xi32, #tpu.memory_space<vmem>>) semaphore(%arg7 : memref<!tpu.dma_semaphore, #tpu.memory_space<semaphore_mem>>)
      %dma_start3A_76 = arith.constant 6 : i32
      %dma_start3A_77 = arith.constant 768 : i32
      %dma_start3A_78 = arith.constant 0 : i32
      %dma_start3A_79 = tpu.memref_slice %arg6[%dma_start3A_77, %dma_start3A_78] : memref<1024x64xf32, #tpu.memory_space<vmem>> -> memref<128x64xf32, #tpu.memory_space<vmem>>
      %dma_start3A_80 = arith.constant 0 : i32
      %dma_start3A_81 = tpu.memref_slice %arg5[%dma_start3A_76, %dma_start3A_80] : memref<8x128xi32, #tpu.memory_space<vmem>> -> memref<1x128xi32, #tpu.memory_space<vmem>>
      %dma_start3A_82 = tpu.memref_squeeze %dma_start3A_81 : memref<1x128xi32, #tpu.memory_space<vmem>> -> memref<128xi32, #tpu.memory_space<vmem>>
      %dma_start3A_83 = arith.constant 0 : i32
      %dma_start3A_84 = arith.constant 0 : i32
      %dma_start3A_85 = tpu.memref_slice %arg2[%dma_start3A_83, %dma_start3A_84] : memref<32768x64xf32, #tpu.memory_space<hbm>> -> memref<32768x64xf32, #tpu.memory_space<hbm>>
      tpu.enqueue_indirect_dma source(%dma_start3A_85 : memref<32768x64xf32, #tpu.memory_space<hbm>>) target(%dma_start3A_79 : memref<128x64xf32, #tpu.memory_space<vmem>>) offsets(%dma_start3A_82 : memref<128xi32, #tpu.memory_space<vmem>>) semaphore(%arg7 : memref<!tpu.dma_semaphore, #tpu.memory_space<semaphore_mem>>)
      %dma_start3A_86 = arith.constant 7 : i32
      %dma_start3A_87 = arith.constant 896 : i32
      %dma_start3A_88 = arith.constant 0 : i32
      %dma_start3A_89 = tpu.memref_slice %arg6[%dma_start3A_87, %dma_start3A_88] : memref<1024x64xf32, #tpu.memory_space<vmem>> -> memref<128x64xf32, #tpu.memory_space<vmem>>
      %dma_start3A_90 = arith.constant 0 : i32
      %dma_start3A_91 = tpu.memref_slice %arg5[%dma_start3A_86, %dma_start3A_90] : memref<8x128xi32, #tpu.memory_space<vmem>> -> memref<1x128xi32, #tpu.memory_space<vmem>>
      %dma_start3A_92 = tpu.memref_squeeze %dma_start3A_91 : memref<1x128xi32, #tpu.memory_space<vmem>> -> memref<128xi32, #tpu.memory_space<vmem>>
      %dma_start3A_93 = arith.constant 0 : i32
      %dma_start3A_94 = arith.constant 0 : i32
      %dma_start3A_95 = tpu.memref_slice %arg2[%dma_start3A_93, %dma_start3A_94] : memref<32768x64xf32, #tpu.memory_space<hbm>> -> memref<32768x64xf32, #tpu.memory_space<hbm>>
      tpu.enqueue_indirect_dma source(%dma_start3A_95 : memref<32768x64xf32, #tpu.memory_space<hbm>>) target(%dma_start3A_89 : memref<128x64xf32, #tpu.memory_space<vmem>>) offsets(%dma_start3A_92 : memref<128xi32, #tpu.memory_space<vmem>>) semaphore(%arg7 : memref<!tpu.dma_semaphore, #tpu.memory_space<semaphore_mem>>)
      %dma_wait3A = arith.constant 0 : i32
      %dma_wait3A_96 = arith.constant 0 : i32
      %dma_wait3A_97 = arith.constant 0 : i32
      %dma_wait3A_98 = tpu.memref_slice %arg6[%dma_wait3A_96, %dma_wait3A_97] : memref<1024x64xf32, #tpu.memory_space<vmem>> -> memref<128x64xf32, #tpu.memory_space<vmem>>
      %dma_wait3A_99 = arith.constant 0 : i32
      %dma_wait3A_100 = tpu.memref_slice %arg5[%dma_wait3A, %dma_wait3A_99] : memref<8x128xi32, #tpu.memory_space<vmem>> -> memref<1x128xi32, #tpu.memory_space<vmem>>
      %dma_wait3A_101 = tpu.memref_squeeze %dma_wait3A_100 : memref<1x128xi32, #tpu.memory_space<vmem>> -> memref<128xi32, #tpu.memory_space<vmem>>
      %dma_wait3A_102 = arith.constant 0 : i32
      %dma_wait3A_103 = arith.constant 0 : i32
      %dma_wait3A_104 = tpu.memref_slice %arg2[%dma_wait3A_102, %dma_wait3A_103] : memref<32768x64xf32, #tpu.memory_space<hbm>> -> memref<32768x64xf32, #tpu.memory_space<hbm>>
      tpu.wait_indirect_dma semaphore(%arg7 : memref<!tpu.dma_semaphore, #tpu.memory_space<semaphore_mem>>) src(%dma_wait3A_104 : memref<32768x64xf32, #tpu.memory_space<hbm>>) dst(%dma_wait3A_98 : memref<128x64xf32, #tpu.memory_space<vmem>>)
      %dma_wait3A_105 = arith.constant 1 : i32
      %dma_wait3A_106 = arith.constant 128 : i32
      %dma_wait3A_107 = arith.constant 0 : i32
      %dma_wait3A_108 = tpu.memref_slice %arg6[%dma_wait3A_106, %dma_wait3A_107] : memref<1024x64xf32, #tpu.memory_space<vmem>> -> memref<128x64xf32, #tpu.memory_space<vmem>>
      %dma_wait3A_109 = arith.constant 0 : i32
      %dma_wait3A_110 = tpu.memref_slice %arg5[%dma_wait3A_105, %dma_wait3A_109] : memref<8x128xi32, #tpu.memory_space<vmem>> -> memref<1x128xi32, #tpu.memory_space<vmem>>
      %dma_wait3A_111 = tpu.memref_squeeze %dma_wait3A_110 : memref<1x128xi32, #tpu.memory_space<vmem>> -> memref<128xi32, #tpu.memory_space<vmem>>
      %dma_wait3A_112 = arith.constant 0 : i32
      %dma_wait3A_113 = arith.constant 0 : i32
      %dma_wait3A_114 = tpu.memref_slice %arg2[%dma_wait3A_112, %dma_wait3A_113] : memref<32768x64xf32, #tpu.memory_space<hbm>> -> memref<32768x64xf32, #tpu.memory_space<hbm>>
      tpu.wait_indirect_dma semaphore(%arg7 : memref<!tpu.dma_semaphore, #tpu.memory_space<semaphore_mem>>) src(%dma_wait3A_114 : memref<32768x64xf32, #tpu.memory_space<hbm>>) dst(%dma_wait3A_108 : memref<128x64xf32, #tpu.memory_space<vmem>>)
      %dma_wait3A_115 = arith.constant 2 : i32
      %dma_wait3A_116 = arith.constant 256 : i32
      %dma_wait3A_117 = arith.constant 0 : i32
      %dma_wait3A_118 = tpu.memref_slice %arg6[%dma_wait3A_116, %dma_wait3A_117] : memref<1024x64xf32, #tpu.memory_space<vmem>> -> memref<128x64xf32, #tpu.memory_space<vmem>>
      %dma_wait3A_119 = arith.constant 0 : i32
      %dma_wait3A_120 = tpu.memref_slice %arg5[%dma_wait3A_115, %dma_wait3A_119] : memref<8x128xi32, #tpu.memory_space<vmem>> -> memref<1x128xi32, #tpu.memory_space<vmem>>
      %dma_wait3A_121 = tpu.memref_squeeze %dma_wait3A_120 : memref<1x128xi32, #tpu.memory_space<vmem>> -> memref<128xi32, #tpu.memory_space<vmem>>
      %dma_wait3A_122 = arith.constant 0 : i32
      %dma_wait3A_123 = arith.constant 0 : i32
      %dma_wait3A_124 = tpu.memref_slice %arg2[%dma_wait3A_122, %dma_wait3A_123] : memref<32768x64xf32, #tpu.memory_space<hbm>> -> memref<32768x64xf32, #tpu.memory_space<hbm>>
      tpu.wait_indirect_dma semaphore(%arg7 : memref<!tpu.dma_semaphore, #tpu.memory_space<semaphore_mem>>) src(%dma_wait3A_124 : memref<32768x64xf32, #tpu.memory_space<hbm>>) dst(%dma_wait3A_118 : memref<128x64xf32, #tpu.memory_space<vmem>>)
      %dma_wait3A_125 = arith.constant 3 : i32
      %dma_wait3A_126 = arith.constant 384 : i32
      %dma_wait3A_127 = arith.constant 0 : i32
      %dma_wait3A_128 = tpu.memref_slice %arg6[%dma_wait3A_126, %dma_wait3A_127] : memref<1024x64xf32, #tpu.memory_space<vmem>> -> memref<128x64xf32, #tpu.memory_space<vmem>>
      %dma_wait3A_129 = arith.constant 0 : i32
      %dma_wait3A_130 = tpu.memref_slice %arg5[%dma_wait3A_125, %dma_wait3A_129] : memref<8x128xi32, #tpu.memory_space<vmem>> -> memref<1x128xi32, #tpu.memory_space<vmem>>
      %dma_wait3A_131 = tpu.memref_squeeze %dma_wait3A_130 : memref<1x128xi32, #tpu.memory_space<vmem>> -> memref<128xi32, #tpu.memory_space<vmem>>
      %dma_wait3A_132 = arith.constant 0 : i32
      %dma_wait3A_133 = arith.constant 0 : i32
      %dma_wait3A_134 = tpu.memref_slice %arg2[%dma_wait3A_132, %dma_wait3A_133] : memref<32768x64xf32, #tpu.memory_space<hbm>> -> memref<32768x64xf32, #tpu.memory_space<hbm>>
      tpu.wait_indirect_dma semaphore(%arg7 : memref<!tpu.dma_semaphore, #tpu.memory_space<semaphore_mem>>) src(%dma_wait3A_134 : memref<32768x64xf32, #tpu.memory_space<hbm>>) dst(%dma_wait3A_128 : memref<128x64xf32, #tpu.memory_space<vmem>>)
      %dma_wait3A_135 = arith.constant 4 : i32
      %dma_wait3A_136 = arith.constant 512 : i32
      %dma_wait3A_137 = arith.constant 0 : i32
      %dma_wait3A_138 = tpu.memref_slice %arg6[%dma_wait3A_136, %dma_wait3A_137] : memref<1024x64xf32, #tpu.memory_space<vmem>> -> memref<128x64xf32, #tpu.memory_space<vmem>>
      %dma_wait3A_139 = arith.constant 0 : i32
      %dma_wait3A_140 = tpu.memref_slice %arg5[%dma_wait3A_135, %dma_wait3A_139] : memref<8x128xi32, #tpu.memory_space<vmem>> -> memref<1x128xi32, #tpu.memory_space<vmem>>
      %dma_wait3A_141 = tpu.memref_squeeze %dma_wait3A_140 : memref<1x128xi32, #tpu.memory_space<vmem>> -> memref<128xi32, #tpu.memory_space<vmem>>
      %dma_wait3A_142 = arith.constant 0 : i32
      %dma_wait3A_143 = arith.constant 0 : i32
      %dma_wait3A_144 = tpu.memref_slice %arg2[%dma_wait3A_142, %dma_wait3A_143] : memref<32768x64xf32, #tpu.memory_space<hbm>> -> memref<32768x64xf32, #tpu.memory_space<hbm>>
      tpu.wait_indirect_dma semaphore(%arg7 : memref<!tpu.dma_semaphore, #tpu.memory_space<semaphore_mem>>) src(%dma_wait3A_144 : memref<32768x64xf32, #tpu.memory_space<hbm>>) dst(%dma_wait3A_138 : memref<128x64xf32, #tpu.memory_space<vmem>>)
      %dma_wait3A_145 = arith.constant 5 : i32
      %dma_wait3A_146 = arith.constant 640 : i32
      %dma_wait3A_147 = arith.constant 0 : i32
      %dma_wait3A_148 = tpu.memref_slice %arg6[%dma_wait3A_146, %dma_wait3A_147] : memref<1024x64xf32, #tpu.memory_space<vmem>> -> memref<128x64xf32, #tpu.memory_space<vmem>>
      %dma_wait3A_149 = arith.constant 0 : i32
      %dma_wait3A_150 = tpu.memref_slice %arg5[%dma_wait3A_145, %dma_wait3A_149] : memref<8x128xi32, #tpu.memory_space<vmem>> -> memref<1x128xi32, #tpu.memory_space<vmem>>
      %dma_wait3A_151 = tpu.memref_squeeze %dma_wait3A_150 : memref<1x128xi32, #tpu.memory_space<vmem>> -> memref<128xi32, #tpu.memory_space<vmem>>
      %dma_wait3A_152 = arith.constant 0 : i32
      %dma_wait3A_153 = arith.constant 0 : i32
      %dma_wait3A_154 = tpu.memref_slice %arg2[%dma_wait3A_152, %dma_wait3A_153] : memref<32768x64xf32, #tpu.memory_space<hbm>> -> memref<32768x64xf32, #tpu.memory_space<hbm>>
      tpu.wait_indirect_dma semaphore(%arg7 : memref<!tpu.dma_semaphore, #tpu.memory_space<semaphore_mem>>) src(%dma_wait3A_154 : memref<32768x64xf32, #tpu.memory_space<hbm>>) dst(%dma_wait3A_148 : memref<128x64xf32, #tpu.memory_space<vmem>>)
      %dma_wait3A_155 = arith.constant 6 : i32
      %dma_wait3A_156 = arith.constant 768 : i32
      %dma_wait3A_157 = arith.constant 0 : i32
      %dma_wait3A_158 = tpu.memref_slice %arg6[%dma_wait3A_156, %dma_wait3A_157] : memref<1024x64xf32, #tpu.memory_space<vmem>> -> memref<128x64xf32, #tpu.memory_space<vmem>>
      %dma_wait3A_159 = arith.constant 0 : i32
      %dma_wait3A_160 = tpu.memref_slice %arg5[%dma_wait3A_155, %dma_wait3A_159] : memref<8x128xi32, #tpu.memory_space<vmem>> -> memref<1x128xi32, #tpu.memory_space<vmem>>
      %dma_wait3A_161 = tpu.memref_squeeze %dma_wait3A_160 : memref<1x128xi32, #tpu.memory_space<vmem>> -> memref<128xi32, #tpu.memory_space<vmem>>
      %dma_wait3A_162 = arith.constant 0 : i32
      %dma_wait3A_163 = arith.constant 0 : i32
      %dma_wait3A_164 = tpu.memref_slice %arg2[%dma_wait3A_162, %dma_wait3A_163] : memref<32768x64xf32, #tpu.memory_space<hbm>> -> memref<32768x64xf32, #tpu.memory_space<hbm>>
      tpu.wait_indirect_dma semaphore(%arg7 : memref<!tpu.dma_semaphore, #tpu.memory_space<semaphore_mem>>) src(%dma_wait3A_164 : memref<32768x64xf32, #tpu.memory_space<hbm>>) dst(%dma_wait3A_158 : memref<128x64xf32, #tpu.memory_space<vmem>>)
      %dma_wait3A_165 = arith.constant 7 : i32
      %dma_wait3A_166 = arith.constant 896 : i32
      %dma_wait3A_167 = arith.constant 0 : i32
      %dma_wait3A_168 = tpu.memref_slice %arg6[%dma_wait3A_166, %dma_wait3A_167] : memref<1024x64xf32, #tpu.memory_space<vmem>> -> memref<128x64xf32, #tpu.memory_space<vmem>>
      %dma_wait3A_169 = arith.constant 0 : i32
      %dma_wait3A_170 = tpu.memref_slice %arg5[%dma_wait3A_165, %dma_wait3A_169] : memref<8x128xi32, #tpu.memory_space<vmem>> -> memref<1x128xi32, #tpu.memory_space<vmem>>
      %dma_wait3A_171 = tpu.memref_squeeze %dma_wait3A_170 : memref<1x128xi32, #tpu.memory_space<vmem>> -> memref<128xi32, #tpu.memory_space<vmem>>
      %dma_wait3A_172 = arith.constant 0 : i32
      %dma_wait3A_173 = arith.constant 0 : i32
      %dma_wait3A_174 = tpu.memref_slice %arg2[%dma_wait3A_172, %dma_wait3A_173] : memref<32768x64xf32, #tpu.memory_space<hbm>> -> memref<32768x64xf32, #tpu.memory_space<hbm>>
      tpu.wait_indirect_dma semaphore(%arg7 : memref<!tpu.dma_semaphore, #tpu.memory_space<semaphore_mem>>) src(%dma_wait3A_174 : memref<32768x64xf32, #tpu.memory_space<hbm>>) dst(%dma_wait3A_168 : memref<128x64xf32, #tpu.memory_space<vmem>>)
      "tpu.region"() ({
        %run_scoped3A = tpu.sem_alloc : memref<!tpu.dma_semaphore, #tpu.memory_space<semaphore_mem>>
        %dma_start3A_176 = arith.constant 0 : i32
        %dma_start3A_177 = tpu.memref_slice %arg4[%add3A_13, %dma_start3A_176] : memref<524288x64xf32, #tpu.memory_space<hbm>> -> memref<1024x64xf32, #tpu.memory_space<hbm>>
        %dma_start3A_178 = arith.constant 0 : i32
        %dma_start3A_179 = tpu.memref_slice %arg4[%add3A_13, %dma_start3A_178] : memref<524288x64xf32, #tpu.memory_space<hbm>> -> memref<1024x64xf32, #tpu.memory_space<hbm>>
        tpu.enqueue_dma source(%arg6 : memref<1024x64xf32, #tpu.memory_space<vmem>>) target(%dma_start3A_179 : memref<1024x64xf32, #tpu.memory_space<hbm>>) target_semaphore(%run_scoped3A : memref<!tpu.dma_semaphore, #tpu.memory_space<semaphore_mem>>)
        %dma_wait3A_180 = arith.constant 0 : i32
        %dma_wait3A_181 = tpu.memref_slice %arg4[%add3A_13, %dma_wait3A_180] : memref<524288x64xf32, #tpu.memory_space<hbm>> -> memref<1024x64xf32, #tpu.memory_space<hbm>>
        %dma_wait3A_182 = arith.constant 0 : i32
        %dma_wait3A_183 = tpu.memref_slice %arg4[%add3A_13, %dma_wait3A_182] : memref<524288x64xf32, #tpu.memory_space<hbm>> -> memref<1024x64xf32, #tpu.memory_space<hbm>>
        tpu.wait_dma2 semaphore(%run_scoped3A : memref<!tpu.dma_semaphore, #tpu.memory_space<semaphore_mem>>) src(%arg6 : memref<1024x64xf32, #tpu.memory_space<vmem>>) dst(%dma_wait3A_183 : memref<1024x64xf32, #tpu.memory_space<hbm>>)
        tpu.yield
      }) : () -> ()
      %scan3A_175 = arith.constant 0 : i32
      scf.yield %scan3A_175 : i32
    }
    %scan3A_8 = arith.constant 16 : i32
    return
  }
}

module attributes {stable_mosaic.version = 14 : i64} {
  func.func @_fps_body(%arg0: i32, %arg1: memref<16x3x2048xf32, #tpu.memory_space<vmem>>, %arg2: memref<1x16x2048xf32, #tpu.memory_space<vmem>>, %arg3: memref<1x16x3xf32, #tpu.memory_space<vmem>>, %arg4: memref<16x2048xf32, #tpu.memory_space<vmem>>, %arg5: memref<3x16x2048xf32, #tpu.memory_space<vmem>>, %arg6: memref<16x2048xf32, #tpu.memory_space<vmem>>) attributes {dimension_semantics = [#tpu.dimension_semantics<arbitrary>], iteration_bounds = array<i64: 512>, scalar_prefetch = 0 : i64, scratch_operands = 3 : i64, tpu.core_type = #tpu.core_type<tc>, window_params = [{pipeline_mode = #tpu.pipeline_mode<synchronous>, transform_indices = @transform_0, window_bounds = array<i64: 16, 3, 2048>}, {transform_indices = @transform_1, window_bounds = array<i64: 1, 16, 2048>}, {transform_indices = @transform_2, window_bounds = array<i64: 1, 16, 3>}]} {
    %get3A = arith.constant 0 : index
    %get3A_0 = arith.constant 0 : index
    %get3A_1 = arith.constant 0 : index
    %get3A_2 = vector.load %arg1[%get3A, %get3A_0, %get3A_1] : memref<16x3x2048xf32, #tpu.memory_space<vmem>>, vector<16x1x2048xf32>
    %get3A_3 = vector.shape_cast %get3A_2 : vector<16x1x2048xf32> to vector<16x2048xf32>
    %get3A_4 = arith.constant 0 : index
    %get3A_5 = arith.constant 1 : index
    %get3A_6 = arith.constant 0 : index
    %get3A_7 = vector.load %arg1[%get3A_4, %get3A_5, %get3A_6] : memref<16x3x2048xf32, #tpu.memory_space<vmem>>, vector<16x1x2048xf32>
    %get3A_8 = vector.shape_cast %get3A_7 : vector<16x1x2048xf32> to vector<16x2048xf32>
    %get3A_9 = arith.constant 0 : index
    %get3A_10 = arith.constant 2 : index
    %get3A_11 = arith.constant 0 : index
    %get3A_12 = vector.load %arg1[%get3A_9, %get3A_10, %get3A_11] : memref<16x3x2048xf32, #tpu.memory_space<vmem>>, vector<16x1x2048xf32>
    %get3A_13 = vector.shape_cast %get3A_12 : vector<16x1x2048xf32> to vector<16x2048xf32>
    %eq3A = arith.constant 0 : i32
    %eq3A_14 = arith.cmpi eq, %arg0, %eq3A : i32
    %convert_element_type3A = arith.extui %eq3A_14 : i1 to i32
    %cond3A = arith.constant 0 : i32
    %cond3A_15 = arith.cmpi ne, %convert_element_type3A, %cond3A : i32
    scf.if %cond3A_15 {
      %broadcast_in_dim3A_105 = arith.constant 1.000000e+10 : f32
      %broadcast_in_dim3A_106 = vector.broadcast %broadcast_in_dim3A_105 : f32 to vector<16x2048xf32>
      %swap3A_107 = arith.constant 0 : index
      %swap3A_108 = arith.constant 0 : index
      %swap3A_109 = vector.load %arg4[%swap3A_107, %swap3A_108] : memref<16x2048xf32, #tpu.memory_space<vmem>>, vector<16x2048xf32>
      tpu.vector_store %arg4[%swap3A_107, %swap3A_108], %broadcast_in_dim3A_106 {strides = array<i32>} : memref<16x2048xf32, #tpu.memory_space<vmem>>, vector<16x2048xf32>,
      %convert_element_type3A_110 = arith.truncf %get3A_3 : vector<16x2048xf32> to vector<16x2048xbf16>
      %convert_element_type3A_111 = arith.extf %convert_element_type3A_110 : vector<16x2048xbf16> to vector<16x2048xf32>
      %swap3A_112 = arith.constant 0 : index
      %swap3A_113 = arith.constant 0 : index
      %swap3A_114 = arith.constant 0 : index
      %swap3A_115 = vector.load %arg5[%swap3A_112, %swap3A_113, %swap3A_114] : memref<3x16x2048xf32, #tpu.memory_space<vmem>>, vector<1x16x2048xf32>
      %swap3A_116 = vector.shape_cast %swap3A_115 : vector<1x16x2048xf32> to vector<16x2048xf32>
      %swap3A_117 = vector.shape_cast %convert_element_type3A_111 : vector<16x2048xf32> to vector<1x16x2048xf32>
      tpu.vector_store %arg5[%swap3A_112, %swap3A_113, %swap3A_114], %swap3A_117 {strides = array<i32>} : memref<3x16x2048xf32, #tpu.memory_space<vmem>>, vector<1x16x2048xf32>,
      %convert_element_type3A_118 = arith.truncf %get3A_8 : vector<16x2048xf32> to vector<16x2048xbf16>
      %convert_element_type3A_119 = arith.extf %convert_element_type3A_118 : vector<16x2048xbf16> to vector<16x2048xf32>
      %swap3A_120 = arith.constant 1 : index
      %swap3A_121 = arith.constant 0 : index
      %swap3A_122 = arith.constant 0 : index
      %swap3A_123 = vector.load %arg5[%swap3A_120, %swap3A_121, %swap3A_122] : memref<3x16x2048xf32, #tpu.memory_space<vmem>>, vector<1x16x2048xf32>
      %swap3A_124 = vector.shape_cast %swap3A_123 : vector<1x16x2048xf32> to vector<16x2048xf32>
      %swap3A_125 = vector.shape_cast %convert_element_type3A_119 : vector<16x2048xf32> to vector<1x16x2048xf32>
      tpu.vector_store %arg5[%swap3A_120, %swap3A_121, %swap3A_122], %swap3A_125 {strides = array<i32>} : memref<3x16x2048xf32, #tpu.memory_space<vmem>>, vector<1x16x2048xf32>,
      %convert_element_type3A_126 = arith.truncf %get3A_13 : vector<16x2048xf32> to vector<16x2048xbf16>
      %convert_element_type3A_127 = arith.extf %convert_element_type3A_126 : vector<16x2048xbf16> to vector<16x2048xf32>
      %swap3A_128 = arith.constant 2 : index
      %swap3A_129 = arith.constant 0 : index
      %swap3A_130 = arith.constant 0 : index
      %swap3A_131 = vector.load %arg5[%swap3A_128, %swap3A_129, %swap3A_130] : memref<3x16x2048xf32, #tpu.memory_space<vmem>>, vector<1x16x2048xf32>
      %swap3A_132 = vector.shape_cast %swap3A_131 : vector<1x16x2048xf32> to vector<16x2048xf32>
      %swap3A_133 = vector.shape_cast %convert_element_type3A_127 : vector<16x2048xf32> to vector<1x16x2048xf32>
      tpu.vector_store %arg5[%swap3A_128, %swap3A_129, %swap3A_130], %swap3A_133 {strides = array<i32>} : memref<3x16x2048xf32, #tpu.memory_space<vmem>>, vector<1x16x2048xf32>,
      %mul3A_134 = arith.mulf %get3A_3, %get3A_3 : vector<16x2048xf32>
      %mul3A_135 = arith.mulf %get3A_8, %get3A_8 : vector<16x2048xf32>
      %add3A_136 = arith.addf %mul3A_134, %mul3A_135 : vector<16x2048xf32>
      %mul3A_137 = arith.mulf %get3A_13, %get3A_13 : vector<16x2048xf32>
      %add3A_138 = arith.addf %add3A_136, %mul3A_137 : vector<16x2048xf32>
      %swap3A_139 = arith.constant 0 : index
      %swap3A_140 = arith.constant 0 : index
      %swap3A_141 = vector.load %arg6[%swap3A_139, %swap3A_140] : memref<16x2048xf32, #tpu.memory_space<vmem>>, vector<16x2048xf32>
      tpu.vector_store %arg6[%swap3A_139, %swap3A_140], %add3A_138 {strides = array<i32>} : memref<16x2048xf32, #tpu.memory_space<vmem>>, vector<16x2048xf32>,
    } else {
    }
    %get3A_16 = arith.constant 0 : index
    %get3A_17 = arith.constant 0 : index
    %get3A_18 = vector.load %arg4[%get3A_16, %get3A_17] : memref<16x2048xf32, #tpu.memory_space<vmem>>, vector<16x2048xf32>
    %iota3A = tpu.iota {dimensions = array<i32: 1>} : vector<16x2048xi32>
    %reduce_max3A = arith.constant dense<0xFF800000> : vector<16xf32>
    %reduce_max3A_19 = vector.multi_reduction <maximumf>, %get3A_18, %reduce_max3A [1] : vector<16x2048xf32> to vector<16xf32>
    %broadcast_in_dim3A = vector.shape_cast %reduce_max3A_19 : vector<16xf32> to vector<16x1xf32>
    %eq3A_20 = vector.broadcast %broadcast_in_dim3A : vector<16x1xf32> to vector<16x2048xf32>
    %eq3A_21 = arith.cmpf oeq, %get3A_18, %eq3A_20 : vector<16x2048xf32>
    %jit3A = arith.constant 2048 : i32
    %broadcast_in_dim3A_22 = vector.broadcast %jit3A : i32 to vector<16x2048xi32>
    %select_n3A = arith.select %eq3A_21, %iota3A, %broadcast_in_dim3A_22 : vector<16x2048xi1>, vector<16x2048xi32>
    %reduce_min3A = arith.constant dense<2147483647> : vector<16xi32>
    %reduce_min3A_23 = vector.multi_reduction <minsi>, %select_n3A, %reduce_min3A [1] : vector<16x2048xi32> to vector<16xi32>
    %broadcast_in_dim3A_24 = vector.shape_cast %reduce_min3A_23 : vector<16xi32> to vector<16x1xi32>
    %eq3A_25 = vector.broadcast %broadcast_in_dim3A_24 : vector<16x1xi32> to vector<16x2048xi32>
    %eq3A_26 = arith.cmpi eq, %iota3A, %eq3A_25 : vector<16x2048xi32>
    %convert_element_type3A_27 = arith.extui %eq3A_26 : vector<16x2048xi1> to vector<16x2048xi32>
    %convert_element_type3A_28 = arith.sitofp %convert_element_type3A_27 : vector<16x2048xi32> to vector<16x2048xf32>
    %mul3A = arith.mulf %get3A_3, %convert_element_type3A_28 : vector<16x2048xf32>
    %reduce_sum3A = arith.constant dense<0.000000e+00> : vector<16xf32>
    %reduce_sum3A_29 = vector.multi_reduction <add>, %mul3A, %reduce_sum3A [1] : vector<16x2048xf32> to vector<16xf32>
    %broadcast_in_dim3A_30 = vector.shape_cast %reduce_sum3A_29 : vector<16xf32> to vector<16x1xf32>
    %mul3A_31 = arith.mulf %get3A_8, %convert_element_type3A_28 : vector<16x2048xf32>
    %reduce_sum3A_32 = arith.constant dense<0.000000e+00> : vector<16xf32>
    %reduce_sum3A_33 = vector.multi_reduction <add>, %mul3A_31, %reduce_sum3A_32 [1] : vector<16x2048xf32> to vector<16xf32>
    %broadcast_in_dim3A_34 = vector.shape_cast %reduce_sum3A_33 : vector<16xf32> to vector<16x1xf32>
    %mul3A_35 = arith.mulf %get3A_13, %convert_element_type3A_28 : vector<16x2048xf32>
    %reduce_sum3A_36 = arith.constant dense<0.000000e+00> : vector<16xf32>
    %reduce_sum3A_37 = vector.multi_reduction <add>, %mul3A_35, %reduce_sum3A_36 [1] : vector<16x2048xf32> to vector<16xf32>
    %broadcast_in_dim3A_38 = vector.shape_cast %reduce_sum3A_37 : vector<16xf32> to vector<16x1xf32>
    %sub3A = vector.broadcast %broadcast_in_dim3A_30 : vector<16x1xf32> to vector<16x2048xf32>
    %sub3A_39 = arith.subf %get3A_3, %sub3A : vector<16x2048xf32>
    %sub3A_40 = vector.broadcast %broadcast_in_dim3A_34 : vector<16x1xf32> to vector<16x2048xf32>
    %sub3A_41 = arith.subf %get3A_8, %sub3A_40 : vector<16x2048xf32>
    %sub3A_42 = vector.broadcast %broadcast_in_dim3A_38 : vector<16x1xf32> to vector<16x2048xf32>
    %sub3A_43 = arith.subf %get3A_13, %sub3A_42 : vector<16x2048xf32>
    %mul3A_44 = arith.mulf %sub3A_39, %sub3A_39 : vector<16x2048xf32>
    %mul3A_45 = arith.mulf %sub3A_41, %sub3A_41 : vector<16x2048xf32>
    %add3A = arith.addf %mul3A_44, %mul3A_45 : vector<16x2048xf32>
    %mul3A_46 = arith.mulf %sub3A_43, %sub3A_43 : vector<16x2048xf32>
    %add3A_47 = arith.addf %add3A, %mul3A_46 : vector<16x2048xf32>
    %convert_element_type3A_48 = arith.truncf %broadcast_in_dim3A_30 : vector<16x1xf32> to vector<16x1xbf16>
    %convert_element_type3A_49 = arith.extf %convert_element_type3A_48 : vector<16x1xbf16> to vector<16x1xf32>
    %get3A_50 = arith.constant 0 : index
    %get3A_51 = arith.constant 0 : index
    %get3A_52 = arith.constant 0 : index
    %get3A_53 = vector.load %arg5[%get3A_50, %get3A_51, %get3A_52] : memref<3x16x2048xf32, #tpu.memory_space<vmem>>, vector<1x16x2048xf32>
    %get3A_54 = vector.shape_cast %get3A_53 : vector<1x16x2048xf32> to vector<16x2048xf32>
    %mul3A_55 = vector.broadcast %convert_element_type3A_49 : vector<16x1xf32> to vector<16x2048xf32>
    %mul3A_56 = arith.mulf %mul3A_55, %get3A_54 : vector<16x2048xf32>
    %convert_element_type3A_57 = arith.truncf %broadcast_in_dim3A_34 : vector<16x1xf32> to vector<16x1xbf16>
    %convert_element_type3A_58 = arith.extf %convert_element_type3A_57 : vector<16x1xbf16> to vector<16x1xf32>
    %get3A_59 = arith.constant 1 : index
    %get3A_60 = arith.constant 0 : index
    %get3A_61 = arith.constant 0 : index
    %get3A_62 = vector.load %arg5[%get3A_59, %get3A_60, %get3A_61] : memref<3x16x2048xf32, #tpu.memory_space<vmem>>, vector<1x16x2048xf32>
    %get3A_63 = vector.shape_cast %get3A_62 : vector<1x16x2048xf32> to vector<16x2048xf32>
    %mul3A_64 = vector.broadcast %convert_element_type3A_58 : vector<16x1xf32> to vector<16x2048xf32>
    %mul3A_65 = arith.mulf %mul3A_64, %get3A_63 : vector<16x2048xf32>
    %add3A_66 = arith.addf %mul3A_56, %mul3A_65 : vector<16x2048xf32>
    %convert_element_type3A_67 = arith.truncf %broadcast_in_dim3A_38 : vector<16x1xf32> to vector<16x1xbf16>
    %convert_element_type3A_68 = arith.extf %convert_element_type3A_67 : vector<16x1xbf16> to vector<16x1xf32>
    %get3A_69 = arith.constant 2 : index
    %get3A_70 = arith.constant 0 : index
    %get3A_71 = arith.constant 0 : index
    %get3A_72 = vector.load %arg5[%get3A_69, %get3A_70, %get3A_71] : memref<3x16x2048xf32, #tpu.memory_space<vmem>>, vector<1x16x2048xf32>
    %get3A_73 = vector.shape_cast %get3A_72 : vector<1x16x2048xf32> to vector<16x2048xf32>
    %mul3A_74 = vector.broadcast %convert_element_type3A_68 : vector<16x1xf32> to vector<16x2048xf32>
    %mul3A_75 = arith.mulf %mul3A_74, %get3A_73 : vector<16x2048xf32>
    %add3A_76 = arith.addf %add3A_66, %mul3A_75 : vector<16x2048xf32>
    %mul3A_77 = arith.mulf %broadcast_in_dim3A_30, %broadcast_in_dim3A_30 : vector<16x1xf32>
    %mul3A_78 = arith.mulf %broadcast_in_dim3A_34, %broadcast_in_dim3A_34 : vector<16x1xf32>
    %add3A_79 = arith.addf %mul3A_77, %mul3A_78 : vector<16x1xf32>
    %mul3A_80 = arith.mulf %broadcast_in_dim3A_38, %broadcast_in_dim3A_38 : vector<16x1xf32>
    %add3A_81 = arith.addf %add3A_79, %mul3A_80 : vector<16x1xf32>
    %get3A_82 = arith.constant 0 : index
    %get3A_83 = arith.constant 0 : index
    %get3A_84 = vector.load %arg6[%get3A_82, %get3A_83] : memref<16x2048xf32, #tpu.memory_space<vmem>>, vector<16x2048xf32>
    %add3A_85 = vector.broadcast %add3A_81 : vector<16x1xf32> to vector<16x2048xf32>
    %add3A_86 = arith.addf %add3A_85, %get3A_84 : vector<16x2048xf32>
    %mul3A_87 = arith.constant 2.000000e+00 : f32
    %mul3A_88 = vector.broadcast %mul3A_87 : f32 to vector<16x2048xf32>
    %mul3A_89 = arith.mulf %mul3A_88, %add3A_76 : vector<16x2048xf32>
    %sub3A_90 = arith.subf %add3A_86, %mul3A_89 : vector<16x2048xf32>
    %swap3A = arith.constant 0 : index
    %swap3A_91 = arith.constant 0 : index
    %swap3A_92 = arith.constant 0 : index
    %swap3A_93 = vector.load %arg2[%swap3A, %swap3A_91, %swap3A_92] : memref<1x16x2048xf32, #tpu.memory_space<vmem>>, vector<1x16x2048xf32>
    %swap3A_94 = vector.shape_cast %swap3A_93 : vector<1x16x2048xf32> to vector<16x2048xf32>
    %swap3A_95 = vector.shape_cast %sub3A_90 : vector<16x2048xf32> to vector<1x16x2048xf32>
    tpu.vector_store %arg2[%swap3A, %swap3A_91, %swap3A_92], %swap3A_95 {strides = array<i32>} : memref<1x16x2048xf32, #tpu.memory_space<vmem>>, vector<1x16x2048xf32>,
    %min3A = arith.minimumf %get3A_18, %add3A_47 : vector<16x2048xf32>
    %swap3A_96 = arith.constant 0 : index
    %swap3A_97 = arith.constant 0 : index
    %swap3A_98 = vector.load %arg4[%swap3A_96, %swap3A_97] : memref<16x2048xf32, #tpu.memory_space<vmem>>, vector<16x2048xf32>
    tpu.vector_store %arg4[%swap3A_96, %swap3A_97], %min3A {strides = array<i32>} : memref<16x2048xf32, #tpu.memory_space<vmem>>, vector<16x2048xf32>,
    %concatenate3A = tpu.concatenate %broadcast_in_dim3A_30, %broadcast_in_dim3A_34, %broadcast_in_dim3A_38 in 1 : vector<16x1xf32>, vector<16x1xf32>, vector<16x1xf32> -> vector<16x3xf32>
    %swap3A_99 = arith.constant 0 : index
    %swap3A_100 = arith.constant 0 : index
    %swap3A_101 = arith.constant 0 : index
    %swap3A_102 = vector.load %arg3[%swap3A_99, %swap3A_100, %swap3A_101] : memref<1x16x3xf32, #tpu.memory_space<vmem>>, vector<1x16x3xf32>
    %swap3A_103 = vector.shape_cast %swap3A_102 : vector<1x16x3xf32> to vector<16x3xf32>
    %swap3A_104 = vector.shape_cast %concatenate3A : vector<16x3xf32> to vector<1x16x3xf32>
    tpu.vector_store %arg3[%swap3A_99, %swap3A_100, %swap3A_101], %swap3A_104 {strides = array<i32>} : memref<1x16x3xf32, #tpu.memory_space<vmem>>, vector<1x16x3xf32>,
    return
  }
  func.func @transform_0(%arg0: i32) -> (i32, i32, i32) {
    %c0_i32 = arith.constant 0 : i32
    %c0_i32_0 = arith.constant 0 : i32
    %c0_i32_1 = arith.constant 0 : i32
    %c0_i32_2 = arith.constant 0 : i32
    return %c0_i32, %c0_i32_0, %c0_i32_1 : i32, i32, i32
  }
  func.func @transform_1(%arg0: i32) -> (i32, i32, i32) {
    %c0_i32 = arith.constant 0 : i32
    %c0_i32_0 = arith.constant 0 : i32
    %c0_i32_1 = arith.constant 0 : i32
    return %arg0, %c0_i32, %c0_i32_0 : i32, i32, i32
  }
  func.func @transform_2(%arg0: i32) -> (i32, i32, i32) {
    %c0_i32 = arith.constant 0 : i32
    %c0_i32_0 = arith.constant 0 : i32
    %c0_i32_1 = arith.constant 0 : i32
    return %arg0, %c0_i32, %c0_i32_0 : i32, i32, i32
  }
}

module attributes {stable_mosaic.version = 14 : i64} {
  func.func @_pre1_body(%arg0: i32, %arg1: memref<1x3x2048xf32, #tpu.memory_space<vmem>>, %arg2: memref<1x128x2048xf32, #tpu.memory_space<vmem>>, %arg3: memref<1x512x3xf32, #tpu.memory_space<vmem>>, %arg4: memref<128x131xf32, #tpu.memory_space<vmem>>, %arg5: memref<128xf32, #tpu.memory_space<vmem>>, %arg6: memref<1x2048x128xf32, #tpu.memory_space<vmem>>, %arg7: memref<1x512x128xf32, #tpu.memory_space<vmem>>) attributes {dimension_semantics = [#tpu.dimension_semantics<arbitrary>], iteration_bounds = array<i64: 16>, scalar_prefetch = 0 : i64, scratch_operands = 0 : i64, tpu.core_type = #tpu.core_type<tc>, window_params = [{transform_indices = @transform_0, window_bounds = array<i64: 1, 3, 2048>}, {transform_indices = @transform_1, window_bounds = array<i64: 1, 128, 2048>}, {transform_indices = @transform_2, window_bounds = array<i64: 1, 512, 3>}, {pipeline_mode = #tpu.pipeline_mode<synchronous>, transform_indices = @transform_3, window_bounds = array<i64: 128, 131>}, {pipeline_mode = #tpu.pipeline_mode<synchronous>, transform_indices = @transform_4, window_bounds = array<i64: 128>}, {transform_indices = @transform_5, window_bounds = array<i64: 1, 2048, 128>}, {transform_indices = @transform_6, window_bounds = array<i64: 1, 512, 128>}]} {
    %get3A = arith.constant 0 : index
    %get3A_0 = arith.constant 0 : index
    %get3A_1 = arith.constant 0 : index
    %get3A_2 = vector.load %arg1[%get3A, %get3A_0, %get3A_1] : memref<1x3x2048xf32, #tpu.memory_space<vmem>>, vector<1x3x2048xf32>
    %get3A_3 = vector.shape_cast %get3A_2 : vector<1x3x2048xf32> to vector<3x2048xf32>
    %transpose3A = tpu.transpose %get3A_3, [1, 0] : vector<3x2048xf32> -> vector<2048x3xf32>
    %get3A_4 = arith.constant 0 : index
    %get3A_5 = arith.constant 0 : index
    %get3A_6 = arith.constant 0 : index
    %get3A_7 = vector.load %arg2[%get3A_4, %get3A_5, %get3A_6] : memref<1x128x2048xf32, #tpu.memory_space<vmem>>, vector<1x128x2048xf32>
    %get3A_8 = vector.shape_cast %get3A_7 : vector<1x128x2048xf32> to vector<128x2048xf32>
    %transpose3A_9 = tpu.transpose %get3A_8, [1, 0] : vector<128x2048xf32> -> vector<2048x128xf32>
    %get3A_10 = arith.constant 0 : index
    %get3A_11 = arith.constant 0 : index
    %get3A_12 = vector.load %arg4[%get3A_10, %get3A_11] : memref<128x131xf32, #tpu.memory_space<vmem>>, vector<128x131xf32>
    %slice3A = vector.extract_strided_slice %get3A_12 {offsets = [0, 0], sizes = [128, 3], strides = [1, 1]} : vector<128x131xf32> to vector<128x3xf32>
    %slice3A_13 = vector.extract_strided_slice %get3A_12 {offsets = [0, 3], sizes = [128, 128], strides = [1, 1]} : vector<128x131xf32> to vector<128x128xf32>
    %transpose3A_14 = tpu.transpose %slice3A, [1, 0] : vector<128x3xf32> -> vector<3x128xf32>
    %dot_general3A = arith.constant dense<0.000000e+00> : vector<2048x128xf32>
    %dot_general3A_15 = tpu.matmul %transpose3A, %transpose3A_14, %dot_general3A {dimension_numbers = #tpu.dot_dimension_numbers<[1], [0], [0], [1], [0, 0, 1, 1], [], []>, transpose_lhs_hint = false} : vector<2048x3xf32>, vector<3x128xf32>, vector<2048x128xf32> -> vector<2048x128xf32>
    %transpose3A_16 = tpu.transpose %slice3A_13, [1, 0] : vector<128x128xf32> -> vector<128x128xf32>
    %dot_general3A_17 = arith.constant dense<0.000000e+00> : vector<2048x128xf32>
    %dot_general3A_18 = tpu.matmul %transpose3A_9, %transpose3A_16, %dot_general3A_17 {dimension_numbers = #tpu.dot_dimension_numbers<[1], [0], [0], [1], [0, 0, 1, 1], [], []>, transpose_lhs_hint = false} : vector<2048x128xf32>, vector<128x128xf32>, vector<2048x128xf32> -> vector<2048x128xf32>
    %add3A = arith.addf %dot_general3A_15, %dot_general3A_18 : vector<2048x128xf32>
    %swap3A = arith.constant 0 : index
    %swap3A_19 = arith.constant 0 : index
    %swap3A_20 = arith.constant 0 : index
    %swap3A_21 = vector.load %arg6[%swap3A, %swap3A_19, %swap3A_20] : memref<1x2048x128xf32, #tpu.memory_space<vmem>>, vector<1x2048x128xf32>
    %swap3A_22 = vector.shape_cast %swap3A_21 : vector<1x2048x128xf32> to vector<2048x128xf32>
    %swap3A_23 = vector.shape_cast %add3A : vector<2048x128xf32> to vector<1x2048x128xf32>
    tpu.vector_store %arg6[%swap3A, %swap3A_19, %swap3A_20], %swap3A_23 {strides = array<i32>} : memref<1x2048x128xf32, #tpu.memory_space<vmem>>, vector<1x2048x128xf32>,
    %get3A_24 = arith.constant 0 : index
    %get3A_25 = arith.constant 0 : index
    %get3A_26 = arith.constant 0 : index
    %get3A_27 = vector.load %arg3[%get3A_24, %get3A_25, %get3A_26] : memref<1x512x3xf32, #tpu.memory_space<vmem>>, vector<1x512x3xf32>
    %get3A_28 = vector.shape_cast %get3A_27 : vector<1x512x3xf32> to vector<512x3xf32>
    %get3A_29 = arith.constant 0 : index
    %get3A_30 = vector.load %arg5[%get3A_29] : memref<128xf32, #tpu.memory_space<vmem>>, vector<128xf32>
    %broadcast_in_dim3A = vector.shape_cast %get3A_30 : vector<128xf32> to vector<1x128xf32>
    %transpose3A_31 = tpu.transpose %slice3A, [1, 0] : vector<128x3xf32> -> vector<3x128xf32>
    %dot_general3A_32 = arith.constant dense<0.000000e+00> : vector<512x128xf32>
    %dot_general3A_33 = tpu.matmul %get3A_28, %transpose3A_31, %dot_general3A_32 {dimension_numbers = #tpu.dot_dimension_numbers<[1], [0], [0], [1], [0, 0, 1, 1], [], []>, transpose_lhs_hint = false} : vector<512x3xf32>, vector<3x128xf32>, vector<512x128xf32> -> vector<512x128xf32>
    %sub3A = vector.broadcast %broadcast_in_dim3A : vector<1x128xf32> to vector<512x128xf32>
    %sub3A_34 = arith.subf %sub3A, %dot_general3A_33 : vector<512x128xf32>
    %swap3A_35 = arith.constant 0 : index
    %swap3A_36 = arith.constant 0 : index
    %swap3A_37 = arith.constant 0 : index
    %swap3A_38 = vector.load %arg7[%swap3A_35, %swap3A_36, %swap3A_37] : memref<1x512x128xf32, #tpu.memory_space<vmem>>, vector<1x512x128xf32>
    %swap3A_39 = vector.shape_cast %swap3A_38 : vector<1x512x128xf32> to vector<512x128xf32>
    %swap3A_40 = vector.shape_cast %sub3A_34 : vector<512x128xf32> to vector<1x512x128xf32>
    tpu.vector_store %arg7[%swap3A_35, %swap3A_36, %swap3A_37], %swap3A_40 {strides = array<i32>} : memref<1x512x128xf32, #tpu.memory_space<vmem>>, vector<1x512x128xf32>,
    return
  }
  func.func @transform_0(%arg0: i32) -> (i32, i32, i32) {
    %c0_i32 = arith.constant 0 : i32
    %c0_i32_0 = arith.constant 0 : i32
    %c0_i32_1 = arith.constant 0 : i32
    return %arg0, %c0_i32, %c0_i32_0 : i32, i32, i32
  }
  func.func @transform_1(%arg0: i32) -> (i32, i32, i32) {
    %c0_i32 = arith.constant 0 : i32
    %c0_i32_0 = arith.constant 0 : i32
    %c0_i32_1 = arith.constant 0 : i32
    return %arg0, %c0_i32, %c0_i32_0 : i32, i32, i32
  }
  func.func @transform_2(%arg0: i32) -> (i32, i32, i32) {
    %c0_i32 = arith.constant 0 : i32
    %c0_i32_0 = arith.constant 0 : i32
    %c0_i32_1 = arith.constant 0 : i32
    return %arg0, %c0_i32, %c0_i32_0 : i32, i32, i32
  }
  func.func @transform_3(%arg0: i32) -> (i32, i32) {
    %c0_i32 = arith.constant 0 : i32
    %c0_i32_0 = arith.constant 0 : i32
    %c0_i32_1 = arith.constant 0 : i32
    return %c0_i32, %c0_i32_0 : i32, i32
  }
  func.func @transform_4(%arg0: i32) -> i32 {
    %c0_i32 = arith.constant 0 : i32
    %c0_i32_0 = arith.constant 0 : i32
    return %c0_i32 : i32
  }
  func.func @transform_5(%arg0: i32) -> (i32, i32, i32) {
    %c0_i32 = arith.constant 0 : i32
    %c0_i32_0 = arith.constant 0 : i32
    %c0_i32_1 = arith.constant 0 : i32
    return %arg0, %c0_i32, %c0_i32_0 : i32, i32, i32
  }
  func.func @transform_6(%arg0: i32) -> (i32, i32, i32) {
    %c0_i32 = arith.constant 0 : i32
    %c0_i32_0 = arith.constant 0 : i32
    %c0_i32_1 = arith.constant 0 : i32
    return %arg0, %c0_i32, %c0_i32_0 : i32, i32, i32
  }
}

module attributes {stable_mosaic.version = 14 : i64} {
  func.func @_p1_body(%arg0: i32, %arg1: memref<16384x64xf32, #tpu.memory_space<vmem>>, %arg2: memref<256x128xf32, #tpu.memory_space<vmem>>, %arg3: memref<1x128xf32, #tpu.memory_space<vmem>>, %arg4: memref<1x128xf32, #tpu.memory_space<vmem>>) attributes {dimension_semantics = [#tpu.dimension_semantics<arbitrary>], iteration_bounds = array<i64: 32>, scalar_prefetch = 0 : i64, scratch_operands = 0 : i64, tpu.core_type = #tpu.core_type<tc>, window_params = [{transform_indices = @transform_0, window_bounds = array<i64: 16384, 64>}, {transform_indices = @transform_1, window_bounds = array<i64: 256, 128>}, {pipeline_mode = #tpu.pipeline_mode<synchronous>, transform_indices = @transform_2, window_bounds = array<i64: 1, 128>}, {pipeline_mode = #tpu.pipeline_mode<synchronous>, transform_indices = @transform_3, window_bounds = array<i64: 1, 128>}]} {
    %get3A = arith.constant 0 : index
    %get3A_0 = arith.constant 0 : index
    %get3A_1 = vector.load %arg1[%get3A, %get3A_0] : memref<16384x64xf32, #tpu.memory_space<vmem>>, vector<16384x64xf32>
    %bitcast_convert_type3A = tpu.bitcast %get3A_1 : vector<16384x64xf32> -> vector<16384x64xi32>
    %shift_left3A = arith.constant 16 : i32
    %shift_left3A_2 = vector.broadcast %shift_left3A : i32 to vector<16384x64xi32>
    %shift_left3A_3 = arith.shli %bitcast_convert_type3A, %shift_left3A_2 : vector<16384x64xi32>
    %bitcast_convert_type3A_4 = tpu.bitcast %shift_left3A_3 : vector<16384x64xi32> -> vector<16384x64xf32>
    %and3A = arith.constant -65536 : i32
    %and3A_5 = vector.broadcast %and3A : i32 to vector<16384x64xi32>
    %and3A_6 = arith.andi %bitcast_convert_type3A, %and3A_5 : vector<16384x64xi32>
    %bitcast_convert_type3A_7 = tpu.bitcast %and3A_6 : vector<16384x64xi32> -> vector<16384x64xf32>
    %concatenate3A = tpu.concatenate %bitcast_convert_type3A_4, %bitcast_convert_type3A_7 in 1 : vector<16384x64xf32>, vector<16384x64xf32> -> vector<16384x128xf32>
    %reshape3A = vector.shape_cast %concatenate3A : vector<16384x128xf32> to vector<256x64x128xf32>
    %get3A_8 = arith.constant 0 : index
    %get3A_9 = arith.constant 0 : index
    %get3A_10 = vector.load %arg2[%get3A_8, %get3A_9] : memref<256x128xf32, #tpu.memory_space<vmem>>, vector<256x128xf32>
    %broadcast_in_dim3A = vector.shape_cast %get3A_10 : vector<256x128xf32> to vector<256x1x128xf32>
    %add3A = vector.broadcast %broadcast_in_dim3A : vector<256x1x128xf32> to vector<256x64x128xf32>
    %add3A_11 = arith.addf %reshape3A, %add3A : vector<256x64x128xf32>
    %reduce_sum3A = arith.constant dense<0.000000e+00> : vector<128xf32>
    %reduce_sum3A_12 = vector.multi_reduction <add>, %add3A_11, %reduce_sum3A [0, 1] : vector<256x64x128xf32> to vector<128xf32>
    %broadcast_in_dim3A_13 = vector.shape_cast %reduce_sum3A_12 : vector<128xf32> to vector<1x128xf32>
    %mul3A = arith.mulf %add3A_11, %add3A_11 : vector<256x64x128xf32>
    %reduce_sum3A_14 = arith.constant dense<0.000000e+00> : vector<128xf32>
    %reduce_sum3A_15 = vector.multi_reduction <add>, %mul3A, %reduce_sum3A_14 [0, 1] : vector<256x64x128xf32> to vector<128xf32>
    %broadcast_in_dim3A_16 = vector.shape_cast %reduce_sum3A_15 : vector<128xf32> to vector<1x128xf32>
    %eq3A = arith.constant 0 : i32
    %eq3A_17 = arith.cmpi eq, %arg0, %eq3A : i32
    %convert_element_type3A = arith.extui %eq3A_17 : i1 to i32
    %cond3A = arith.constant 0 : i32
    %cond3A_18 = arith.cmpi ne, %convert_element_type3A, %cond3A : i32
    scf.if %cond3A_18 {
      %broadcast_in_dim3A_32 = arith.constant 0.000000e+00 : f32
      %broadcast_in_dim3A_33 = vector.broadcast %broadcast_in_dim3A_32 : f32 to vector<1x128xf32>
      %swap3A_34 = arith.constant 0 : index
      %swap3A_35 = arith.constant 0 : index
      %swap3A_36 = vector.load %arg3[%swap3A_34, %swap3A_35] : memref<1x128xf32, #tpu.memory_space<vmem>>, vector<1x128xf32>
      tpu.vector_store %arg3[%swap3A_34, %swap3A_35], %broadcast_in_dim3A_33 {strides = array<i32>} : memref<1x128xf32, #tpu.memory_space<vmem>>, vector<1x128xf32>,
      %broadcast_in_dim3A_37 = arith.constant 0.000000e+00 : f32
      %broadcast_in_dim3A_38 = vector.broadcast %broadcast_in_dim3A_37 : f32 to vector<1x128xf32>
      %swap3A_39 = arith.constant 0 : index
      %swap3A_40 = arith.constant 0 : index
      %swap3A_41 = vector.load %arg4[%swap3A_39, %swap3A_40] : memref<1x128xf32, #tpu.memory_space<vmem>>, vector<1x128xf32>
      tpu.vector_store %arg4[%swap3A_39, %swap3A_40], %broadcast_in_dim3A_38 {strides = array<i32>} : memref<1x128xf32, #tpu.memory_space<vmem>>, vector<1x128xf32>,
    } else {
    }
    %get3A_19 = arith.constant 0 : index
    %get3A_20 = arith.constant 0 : index
    %get3A_21 = vector.load %arg3[%get3A_19, %get3A_20] : memref<1x128xf32, #tpu.memory_space<vmem>>, vector<1x128xf32>
    %add3A_22 = arith.addf %get3A_21, %broadcast_in_dim3A_13 : vector<1x128xf32>
    %swap3A = arith.constant 0 : index
    %swap3A_23 = arith.constant 0 : index
    %swap3A_24 = vector.load %arg3[%swap3A, %swap3A_23] : memref<1x128xf32, #tpu.memory_space<vmem>>, vector<1x128xf32>
    tpu.vector_store %arg3[%swap3A, %swap3A_23], %add3A_22 {strides = array<i32>} : memref<1x128xf32, #tpu.memory_space<vmem>>, vector<1x128xf32>,
    %get3A_25 = arith.constant 0 : index
    %get3A_26 = arith.constant 0 : index
    %get3A_27 = vector.load %arg4[%get3A_25, %get3A_26] : memref<1x128xf32, #tpu.memory_space<vmem>>, vector<1x128xf32>
    %add3A_28 = arith.addf %get3A_27, %broadcast_in_dim3A_16 : vector<1x128xf32>
    %swap3A_29 = arith.constant 0 : index
    %swap3A_30 = arith.constant 0 : index
    %swap3A_31 = vector.load %arg4[%swap3A_29, %swap3A_30] : memref<1x128xf32, #tpu.memory_space<vmem>>, vector<1x128xf32>
    tpu.vector_store %arg4[%swap3A_29, %swap3A_30], %add3A_28 {strides = array<i32>} : memref<1x128xf32, #tpu.memory_space<vmem>>, vector<1x128xf32>,
    return
  }
  func.func @transform_0(%arg0: i32) -> (i32, i32) {
    %c0_i32 = arith.constant 0 : i32
    %c0_i32_0 = arith.constant 0 : i32
    return %arg0, %c0_i32 : i32, i32
  }
  func.func @transform_1(%arg0: i32) -> (i32, i32) {
    %c0_i32 = arith.constant 0 : i32
    %c0_i32_0 = arith.constant 0 : i32
    return %arg0, %c0_i32 : i32, i32
  }
  func.func @transform_2(%arg0: i32) -> (i32, i32) {
    %c0_i32 = arith.constant 0 : i32
    %c0_i32_0 = arith.constant 0 : i32
    %c0_i32_1 = arith.constant 0 : i32
    return %c0_i32, %c0_i32_0 : i32, i32
  }
  func.func @transform_3(%arg0: i32) -> (i32, i32) {
    %c0_i32 = arith.constant 0 : i32
    %c0_i32_0 = arith.constant 0 : i32
    %c0_i32_1 = arith.constant 0 : i32
    return %c0_i32, %c0_i32_0 : i32, i32
  }
}

module attributes {stable_mosaic.version = 14 : i64} {
  func.func @_p2_body(%arg0: i32, %arg1: memref<16384x64xf32, #tpu.memory_space<vmem>>, %arg2: memref<256x128xf32, #tpu.memory_space<vmem>>, %arg3: memref<1x128xf32, #tpu.memory_space<vmem>>, %arg4: memref<1x128xf32, #tpu.memory_space<vmem>>, %arg5: memref<128x128xf32, #tpu.memory_space<vmem>>) attributes {dimension_semantics = [#tpu.dimension_semantics<arbitrary>], iteration_bounds = array<i64: 32>, scalar_prefetch = 0 : i64, scratch_operands = 0 : i64, tpu.core_type = #tpu.core_type<tc>, window_params = [{transform_indices = @transform_0, window_bounds = array<i64: 16384, 64>}, {transform_indices = @transform_1, window_bounds = array<i64: 256, 128>}, {pipeline_mode = #tpu.pipeline_mode<synchronous>, transform_indices = @transform_2, window_bounds = array<i64: 1, 128>}, {pipeline_mode = #tpu.pipeline_mode<synchronous>, transform_indices = @transform_3, window_bounds = array<i64: 1, 128>}, {pipeline_mode = #tpu.pipeline_mode<synchronous>, transform_indices = @transform_4, window_bounds = array<i64: 128, 128>}]} {
    %get3A = arith.constant 0 : index
    %get3A_0 = arith.constant 0 : index
    %get3A_1 = vector.load %arg1[%get3A, %get3A_0] : memref<16384x64xf32, #tpu.memory_space<vmem>>, vector<16384x64xf32>
    %bitcast_convert_type3A = tpu.bitcast %get3A_1 : vector<16384x64xf32> -> vector<16384x64xi32>
    %shift_left3A = arith.constant 16 : i32
    %shift_left3A_2 = vector.broadcast %shift_left3A : i32 to vector<16384x64xi32>
    %shift_left3A_3 = arith.shli %bitcast_convert_type3A, %shift_left3A_2 : vector<16384x64xi32>
    %bitcast_convert_type3A_4 = tpu.bitcast %shift_left3A_3 : vector<16384x64xi32> -> vector<16384x64xf32>
    %and3A = arith.constant -65536 : i32
    %and3A_5 = vector.broadcast %and3A : i32 to vector<16384x64xi32>
    %and3A_6 = arith.andi %bitcast_convert_type3A, %and3A_5 : vector<16384x64xi32>
    %bitcast_convert_type3A_7 = tpu.bitcast %and3A_6 : vector<16384x64xi32> -> vector<16384x64xf32>
    %concatenate3A = tpu.concatenate %bitcast_convert_type3A_4, %bitcast_convert_type3A_7 in 1 : vector<16384x64xf32>, vector<16384x64xf32> -> vector<16384x128xf32>
    %reshape3A = vector.shape_cast %concatenate3A : vector<16384x128xf32> to vector<256x64x128xf32>
    %get3A_8 = arith.constant 0 : index
    %get3A_9 = arith.constant 0 : index
    %get3A_10 = vector.load %arg3[%get3A_8, %get3A_9] : memref<1x128xf32, #tpu.memory_space<vmem>>, vector<1x128xf32>
    %broadcast_in_dim3A = vector.shape_cast %get3A_10 : vector<1x128xf32> to vector<1x1x128xf32>
    %mul3A = vector.broadcast %broadcast_in_dim3A : vector<1x1x128xf32> to vector<256x64x128xf32>
    %mul3A_11 = arith.mulf %reshape3A, %mul3A : vector<256x64x128xf32>
    %get3A_12 = arith.constant 0 : index
    %get3A_13 = arith.constant 0 : index
    %get3A_14 = vector.load %arg2[%get3A_12, %get3A_13] : memref<256x128xf32, #tpu.memory_space<vmem>>, vector<256x128xf32>
    %broadcast_in_dim3A_15 = vector.shape_cast %get3A_14 : vector<256x128xf32> to vector<256x1x128xf32>
    %add3A = vector.broadcast %broadcast_in_dim3A_15 : vector<256x1x128xf32> to vector<256x64x128xf32>
    %add3A_16 = arith.addf %mul3A_11, %add3A : vector<256x64x128xf32>
    %max3A = arith.constant 0.000000e+00 : f32
    %max3A_17 = vector.broadcast %max3A : f32 to vector<256x64x128xf32>
    %max3A_18 = arith.maximumf %add3A_16, %max3A_17 : vector<256x64x128xf32>
    %reshape3A_19 = vector.shape_cast %max3A_18 : vector<256x64x128xf32> to vector<16384x128xf32>
    %reduce_sum3A = arith.constant dense<0.000000e+00> : vector<128xf32>
    %reduce_sum3A_20 = vector.multi_reduction <add>, %reshape3A_19, %reduce_sum3A [0] : vector<16384x128xf32> to vector<128xf32>
    %broadcast_in_dim3A_21 = vector.shape_cast %reduce_sum3A_20 : vector<128xf32> to vector<1x128xf32>
    %dot_general3A = arith.constant dense<0.000000e+00> : vector<128x128xf32>
    %dot_general3A_22 = tpu.matmul %reshape3A_19, %reshape3A_19, %dot_general3A {dimension_numbers = #tpu.dot_dimension_numbers<[0], [0], [1], [1], [0, 1, 1, 1], [], []>, transpose_lhs_hint = false} : vector<16384x128xf32>, vector<16384x128xf32>, vector<128x128xf32> -> vector<128x128xf32>
    %eq3A = arith.constant 0 : i32
    %eq3A_23 = arith.cmpi eq, %arg0, %eq3A : i32
    %convert_element_type3A = arith.extui %eq3A_23 : i1 to i32
    %cond3A = arith.constant 0 : i32
    %cond3A_24 = arith.cmpi ne, %convert_element_type3A, %cond3A : i32
    scf.if %cond3A_24 {
      %broadcast_in_dim3A_38 = arith.constant 0.000000e+00 : f32
      %broadcast_in_dim3A_39 = vector.broadcast %broadcast_in_dim3A_38 : f32 to vector<1x128xf32>
      %swap3A_40 = arith.constant 0 : index
      %swap3A_41 = arith.constant 0 : index
      %swap3A_42 = vector.load %arg4[%swap3A_40, %swap3A_41] : memref<1x128xf32, #tpu.memory_space<vmem>>, vector<1x128xf32>
      tpu.vector_store %arg4[%swap3A_40, %swap3A_41], %broadcast_in_dim3A_39 {strides = array<i32>} : memref<1x128xf32, #tpu.memory_space<vmem>>, vector<1x128xf32>,
      %broadcast_in_dim3A_43 = arith.constant 0.000000e+00 : f32
      %broadcast_in_dim3A_44 = vector.broadcast %broadcast_in_dim3A_43 : f32 to vector<128x128xf32>
      %swap3A_45 = arith.constant 0 : index
      %swap3A_46 = arith.constant 0 : index
      %swap3A_47 = vector.load %arg5[%swap3A_45, %swap3A_46] : memref<128x128xf32, #tpu.memory_space<vmem>>, vector<128x128xf32>
      tpu.vector_store %arg5[%swap3A_45, %swap3A_46], %broadcast_in_dim3A_44 {strides = array<i32>} : memref<128x128xf32, #tpu.memory_space<vmem>>, vector<128x128xf32>,
    } else {
    }
    %get3A_25 = arith.constant 0 : index
    %get3A_26 = arith.constant 0 : index
    %get3A_27 = vector.load %arg4[%get3A_25, %get3A_26] : memref<1x128xf32, #tpu.memory_space<vmem>>, vector<1x128xf32>
    %add3A_28 = arith.addf %get3A_27, %broadcast_in_dim3A_21 : vector<1x128xf32>
    %swap3A = arith.constant 0 : index
    %swap3A_29 = arith.constant 0 : index
    %swap3A_30 = vector.load %arg4[%swap3A, %swap3A_29] : memref<1x128xf32, #tpu.memory_space<vmem>>, vector<1x128xf32>
    tpu.vector_store %arg4[%swap3A, %swap3A_29], %add3A_28 {strides = array<i32>} : memref<1x128xf32, #tpu.memory_space<vmem>>, vector<1x128xf32>,
    %get3A_31 = arith.constant 0 : index
    %get3A_32 = arith.constant 0 : index
    %get3A_33 = vector.load %arg5[%get3A_31, %get3A_32] : memref<128x128xf32, #tpu.memory_space<vmem>>, vector<128x128xf32>
    %add3A_34 = arith.addf %get3A_33, %dot_general3A_22 : vector<128x128xf32>
    %swap3A_35 = arith.constant 0 : index
    %swap3A_36 = arith.constant 0 : index
    %swap3A_37 = vector.load %arg5[%swap3A_35, %swap3A_36] : memref<128x128xf32, #tpu.memory_space<vmem>>, vector<128x128xf32>
    tpu.vector_store %arg5[%swap3A_35, %swap3A_36], %add3A_34 {strides = array<i32>} : memref<128x128xf32, #tpu.memory_space<vmem>>, vector<128x128xf32>,
    return
  }
  func.func @transform_0(%arg0: i32) -> (i32, i32) {
    %c0_i32 = arith.constant 0 : i32
    %c0_i32_0 = arith.constant 0 : i32
    return %arg0, %c0_i32 : i32, i32
  }
  func.func @transform_1(%arg0: i32) -> (i32, i32) {
    %c0_i32 = arith.constant 0 : i32
    %c0_i32_0 = arith.constant 0 : i32
    return %arg0, %c0_i32 : i32, i32
  }
  func.func @transform_2(%arg0: i32) -> (i32, i32) {
    %c0_i32 = arith.constant 0 : i32
    %c0_i32_0 = arith.constant 0 : i32
    %c0_i32_1 = arith.constant 0 : i32
    return %c0_i32, %c0_i32_0 : i32, i32
  }
  func.func @transform_3(%arg0: i32) -> (i32, i32) {
    %c0_i32 = arith.constant 0 : i32
    %c0_i32_0 = arith.constant 0 : i32
    %c0_i32_1 = arith.constant 0 : i32
    return %c0_i32, %c0_i32_0 : i32, i32
  }
  func.func @transform_4(%arg0: i32) -> (i32, i32) {
    %c0_i32 = arith.constant 0 : i32
    %c0_i32_0 = arith.constant 0 : i32
    %c0_i32_1 = arith.constant 0 : i32
    return %c0_i32, %c0_i32_0 : i32, i32
  }
}

module attributes {stable_mosaic.version = 14 : i64} {
  func.func @_asm_body(%arg0: memref<1x128xf32, #tpu.memory_space<vmem>>, %arg1: memref<128x128xf32, #tpu.memory_space<vmem>>, %arg2: memref<128x128xf32, #tpu.memory_space<vmem>>, %arg3: memref<1x128xf32, #tpu.memory_space<vmem>>, %arg4: memref<1x128xf32, #tpu.memory_space<vmem>>, %arg5: memref<1x128xf32, #tpu.memory_space<vmem>>) attributes {dimension_semantics = [], scalar_prefetch = 0 : i64, scratch_operands = 0 : i64, tpu.core_type = #tpu.core_type<tc>} {
    %get3A = arith.constant 0 : index
    %get3A_0 = arith.constant 0 : index
    %get3A_1 = vector.load %arg2[%get3A, %get3A_0] : memref<128x128xf32, #tpu.memory_space<vmem>>, vector<128x128xf32>
    %get3A_2 = arith.constant 0 : index
    %get3A_3 = arith.constant 0 : index
    %get3A_4 = vector.load %arg0[%get3A_2, %get3A_3] : memref<1x128xf32, #tpu.memory_space<vmem>>, vector<1x128xf32>
    %dot_general3A = arith.constant dense<0.000000e+00> : vector<1x128xf32>
    %dot_general3A_5 = tpu.matmul %get3A_4, %get3A_1, %dot_general3A {dimension_numbers = #tpu.dot_dimension_numbers<[1], [0], [0], [1], [0, 0, 1, 1], [], []>, transpose_lhs_hint = false} : vector<1x128xf32>, vector<128x128xf32>, vector<1x128xf32> -> vector<1x128xf32>
    %get3A_6 = arith.constant 0 : index
    %get3A_7 = arith.constant 0 : index
    %get3A_8 = vector.load %arg1[%get3A_6, %get3A_7] : memref<128x128xf32, #tpu.memory_space<vmem>>, vector<128x128xf32>
    %dot_general3A_9 = arith.constant dense<0.000000e+00> : vector<128x128xf32>
    %dot_general3A_10 = tpu.matmul %get3A_8, %get3A_1, %dot_general3A_9 {dimension_numbers = #tpu.dot_dimension_numbers<[1], [0], [0], [1], [0, 0, 1, 1], [], []>, transpose_lhs_hint = false} : vector<128x128xf32>, vector<128x128xf32>, vector<128x128xf32> -> vector<128x128xf32>
    %mul3A = arith.mulf %dot_general3A_10, %get3A_1 : vector<128x128xf32>
    %reduce_sum3A = arith.constant dense<0.000000e+00> : vector<128xf32>
    %reduce_sum3A_11 = vector.multi_reduction <add>, %mul3A, %reduce_sum3A [0] : vector<128x128xf32> to vector<128xf32>
    %broadcast_in_dim3A = vector.shape_cast %reduce_sum3A_11 : vector<128xf32> to vector<1x128xf32>
    %get3A_12 = arith.constant 0 : index
    %get3A_13 = arith.constant 0 : index
    %get3A_14 = vector.load %arg3[%get3A_12, %get3A_13] : memref<1x128xf32, #tpu.memory_space<vmem>>, vector<1x128xf32>
    %mul3A_15 = arith.constant 5.242880e+05 : f32
    %mul3A_16 = vector.broadcast %mul3A_15 : f32 to vector<1x128xf32>
    %mul3A_17 = arith.mulf %mul3A_16, %get3A_14 : vector<1x128xf32>
    %add3A = arith.addf %dot_general3A_5, %mul3A_17 : vector<1x128xf32>
    %swap3A = arith.constant 0 : index
    %swap3A_18 = arith.constant 0 : index
    %swap3A_19 = vector.load %arg4[%swap3A, %swap3A_18] : memref<1x128xf32, #tpu.memory_space<vmem>>, vector<1x128xf32>
    tpu.vector_store %arg4[%swap3A, %swap3A_18], %add3A {strides = array<i32>} : memref<1x128xf32, #tpu.memory_space<vmem>>, vector<1x128xf32>,
    %mul3A_20 = arith.constant 2.000000e+00 : f32
    %mul3A_21 = vector.broadcast %mul3A_20 : f32 to vector<1x128xf32>
    %mul3A_22 = arith.mulf %mul3A_21, %get3A_14 : vector<1x128xf32>
    %mul3A_23 = arith.mulf %mul3A_22, %dot_general3A_5 : vector<1x128xf32>
    %add3A_24 = arith.addf %broadcast_in_dim3A, %mul3A_23 : vector<1x128xf32>
    %mul3A_25 = arith.constant 5.242880e+05 : f32
    %mul3A_26 = vector.broadcast %mul3A_25 : f32 to vector<1x128xf32>
    %mul3A_27 = arith.mulf %mul3A_26, %get3A_14 : vector<1x128xf32>
    %mul3A_28 = arith.mulf %mul3A_27, %get3A_14 : vector<1x128xf32>
    %add3A_29 = arith.addf %add3A_24, %mul3A_28 : vector<1x128xf32>
    %swap3A_30 = arith.constant 0 : index
    %swap3A_31 = arith.constant 0 : index
    %swap3A_32 = vector.load %arg5[%swap3A_30, %swap3A_31] : memref<1x128xf32, #tpu.memory_space<vmem>>, vector<1x128xf32>
    tpu.vector_store %arg5[%swap3A_30, %swap3A_31], %add3A_29 {strides = array<i32>} : memref<1x128xf32, #tpu.memory_space<vmem>>, vector<1x128xf32>,
    return
  }
}

module attributes {stable_mosaic.version = 14 : i64} {
  func.func @_p3_body(%arg0: i32, %arg1: memref<16384x64xf32, #tpu.memory_space<vmem>>, %arg2: memref<256x128xf32, #tpu.memory_space<vmem>>, %arg3: memref<1x128xf32, #tpu.memory_space<vmem>>, %arg4: memref<128x128xf32, #tpu.memory_space<vmem>>, %arg5: memref<1x128xf32, #tpu.memory_space<vmem>>, %arg6: memref<1x128xf32, #tpu.memory_space<vmem>>, %arg7: memref<128x128xf32, #tpu.memory_space<vmem>>) attributes {dimension_semantics = [#tpu.dimension_semantics<arbitrary>], iteration_bounds = array<i64: 32>, scalar_prefetch = 0 : i64, scratch_operands = 0 : i64, tpu.core_type = #tpu.core_type<tc>, window_params = [{transform_indices = @transform_0, window_bounds = array<i64: 16384, 64>}, {transform_indices = @transform_1, window_bounds = array<i64: 256, 128>}, {pipeline_mode = #tpu.pipeline_mode<synchronous>, transform_indices = @transform_2, window_bounds = array<i64: 1, 128>}, {pipeline_mode = #tpu.pipeline_mode<synchronous>, transform_indices = @transform_3, window_bounds = array<i64: 128, 128>}, {pipeline_mode = #tpu.pipeline_mode<synchronous>, transform_indices = @transform_4, window_bounds = array<i64: 1, 128>}, {pipeline_mode = #tpu.pipeline_mode<synchronous>, transform_indices = @transform_5, window_bounds = array<i64: 1, 128>}, {pipeline_mode = #tpu.pipeline_mode<synchronous>, transform_indices = @transform_6, window_bounds = array<i64: 128, 128>}]} {
    %get3A = arith.constant 0 : index
    %get3A_0 = arith.constant 0 : index
    %get3A_1 = vector.load %arg1[%get3A, %get3A_0] : memref<16384x64xf32, #tpu.memory_space<vmem>>, vector<16384x64xf32>
    %bitcast_convert_type3A = tpu.bitcast %get3A_1 : vector<16384x64xf32> -> vector<16384x64xi32>
    %shift_left3A = arith.constant 16 : i32
    %shift_left3A_2 = vector.broadcast %shift_left3A : i32 to vector<16384x64xi32>
    %shift_left3A_3 = arith.shli %bitcast_convert_type3A, %shift_left3A_2 : vector<16384x64xi32>
    %bitcast_convert_type3A_4 = tpu.bitcast %shift_left3A_3 : vector<16384x64xi32> -> vector<16384x64xf32>
    %and3A = arith.constant -65536 : i32
    %and3A_5 = vector.broadcast %and3A : i32 to vector<16384x64xi32>
    %and3A_6 = arith.andi %bitcast_convert_type3A, %and3A_5 : vector<16384x64xi32>
    %bitcast_convert_type3A_7 = tpu.bitcast %and3A_6 : vector<16384x64xi32> -> vector<16384x64xf32>
    %concatenate3A = tpu.concatenate %bitcast_convert_type3A_4, %bitcast_convert_type3A_7 in 1 : vector<16384x64xf32>, vector<16384x64xf32> -> vector<16384x128xf32>
    %reshape3A = vector.shape_cast %concatenate3A : vector<16384x128xf32> to vector<256x64x128xf32>
    %get3A_8 = arith.constant 0 : index
    %get3A_9 = arith.constant 0 : index
    %get3A_10 = vector.load %arg3[%get3A_8, %get3A_9] : memref<1x128xf32, #tpu.memory_space<vmem>>, vector<1x128xf32>
    %broadcast_in_dim3A = vector.shape_cast %get3A_10 : vector<1x128xf32> to vector<1x1x128xf32>
    %mul3A = vector.broadcast %broadcast_in_dim3A : vector<1x1x128xf32> to vector<256x64x128xf32>
    %mul3A_11 = arith.mulf %reshape3A, %mul3A : vector<256x64x128xf32>
    %get3A_12 = arith.constant 0 : index
    %get3A_13 = arith.constant 0 : index
    %get3A_14 = vector.load %arg2[%get3A_12, %get3A_13] : memref<256x128xf32, #tpu.memory_space<vmem>>, vector<256x128xf32>
    %broadcast_in_dim3A_15 = vector.shape_cast %get3A_14 : vector<256x128xf32> to vector<256x1x128xf32>
    %add3A = vector.broadcast %broadcast_in_dim3A_15 : vector<256x1x128xf32> to vector<256x64x128xf32>
    %add3A_16 = arith.addf %mul3A_11, %add3A : vector<256x64x128xf32>
    %max3A = arith.constant 0.000000e+00 : f32
    %max3A_17 = vector.broadcast %max3A : f32 to vector<256x64x128xf32>
    %max3A_18 = arith.maximumf %add3A_16, %max3A_17 : vector<256x64x128xf32>
    %reshape3A_19 = vector.shape_cast %max3A_18 : vector<256x64x128xf32> to vector<16384x128xf32>
    %get3A_20 = arith.constant 0 : index
    %get3A_21 = arith.constant 0 : index
    %get3A_22 = vector.load %arg4[%get3A_20, %get3A_21] : memref<128x128xf32, #tpu.memory_space<vmem>>, vector<128x128xf32>
    %dot_general3A = arith.constant dense<0.000000e+00> : vector<16384x128xf32>
    %dot_general3A_23 = tpu.matmul %reshape3A_19, %get3A_22, %dot_general3A {dimension_numbers = #tpu.dot_dimension_numbers<[1], [0], [0], [1], [0, 0, 1, 1], [], []>, transpose_lhs_hint = false} : vector<16384x128xf32>, vector<128x128xf32>, vector<16384x128xf32> -> vector<16384x128xf32>
    %get3A_24 = arith.constant 0 : index
    %get3A_25 = arith.constant 0 : index
    %get3A_26 = vector.load %arg5[%get3A_24, %get3A_25] : memref<1x128xf32, #tpu.memory_space<vmem>>, vector<1x128xf32>
    %add3A_27 = vector.broadcast %get3A_26 : vector<1x128xf32> to vector<16384x128xf32>
    %add3A_28 = arith.addf %dot_general3A_23, %add3A_27 : vector<16384x128xf32>
    %max3A_29 = arith.constant 0.000000e+00 : f32
    %max3A_30 = vector.broadcast %max3A_29 : f32 to vector<16384x128xf32>
    %max3A_31 = arith.maximumf %add3A_28, %max3A_30 : vector<16384x128xf32>
    %reduce_sum3A = arith.constant dense<0.000000e+00> : vector<128xf32>
    %reduce_sum3A_32 = vector.multi_reduction <add>, %max3A_31, %reduce_sum3A [0] : vector<16384x128xf32> to vector<128xf32>
    %broadcast_in_dim3A_33 = vector.shape_cast %reduce_sum3A_32 : vector<128xf32> to vector<1x128xf32>
    %dot_general3A_34 = arith.constant dense<0.000000e+00> : vector<128x128xf32>
    %dot_general3A_35 = tpu.matmul %max3A_31, %max3A_31, %dot_general3A_34 {dimension_numbers = #tpu.dot_dimension_numbers<[0], [0], [1], [1], [0, 1, 1, 1], [], []>, transpose_lhs_hint = false} : vector<16384x128xf32>, vector<16384x128xf32>, vector<128x128xf32> -> vector<128x128xf32>
    %eq3A = arith.constant 0 : i32
    %eq3A_36 = arith.cmpi eq, %arg0, %eq3A : i32
    %convert_element_type3A = arith.extui %eq3A_36 : i1 to i32
    %cond3A = arith.constant 0 : i32
    %cond3A_37 = arith.cmpi ne, %convert_element_type3A, %cond3A : i32
    scf.if %cond3A_37 {
      %broadcast_in_dim3A_51 = arith.constant 0.000000e+00 : f32
      %broadcast_in_dim3A_52 = vector.broadcast %broadcast_in_dim3A_51 : f32 to vector<1x128xf32>
      %swap3A_53 = arith.constant 0 : index
      %swap3A_54 = arith.constant 0 : index
      %swap3A_55 = vector.load %arg6[%swap3A_53, %swap3A_54] : memref<1x128xf32, #tpu.memory_space<vmem>>, vector<1x128xf32>
      tpu.vector_store %arg6[%swap3A_53, %swap3A_54], %broadcast_in_dim3A_52 {strides = array<i32>} : memref<1x128xf32, #tpu.memory_space<vmem>>, vector<1x128xf32>,
      %broadcast_in_dim3A_56 = arith.constant 0.000000e+00 : f32
      %broadcast_in_dim3A_57 = vector.broadcast %broadcast_in_dim3A_56 : f32 to vector<128x128xf32>
      %swap3A_58 = arith.constant 0 : index
      %swap3A_59 = arith.constant 0 : index
      %swap3A_60 = vector.load %arg7[%swap3A_58, %swap3A_59] : memref<128x128xf32, #tpu.memory_space<vmem>>, vector<128x128xf32>
      tpu.vector_store %arg7[%swap3A_58, %swap3A_59], %broadcast_in_dim3A_57 {strides = array<i32>} : memref<128x128xf32, #tpu.memory_space<vmem>>, vector<128x128xf32>,
    } else {
    }
    %get3A_38 = arith.constant 0 : index
    %get3A_39 = arith.constant 0 : index
    %get3A_40 = vector.load %arg6[%get3A_38, %get3A_39] : memref<1x128xf32, #tpu.memory_space<vmem>>, vector<1x128xf32>
    %add3A_41 = arith.addf %get3A_40, %broadcast_in_dim3A_33 : vector<1x128xf32>
    %swap3A = arith.constant 0 : index
    %swap3A_42 = arith.constant 0 : index
    %swap3A_43 = vector.load %arg6[%swap3A, %swap3A_42] : memref<1x128xf32, #tpu.memory_space<vmem>>, vector<1x128xf32>
    tpu.vector_store %arg6[%swap3A, %swap3A_42], %add3A_41 {strides = array<i32>} : memref<1x128xf32, #tpu.memory_space<vmem>>, vector<1x128xf32>,
    %get3A_44 = arith.constant 0 : index
    %get3A_45 = arith.constant 0 : index
    %get3A_46 = vector.load %arg7[%get3A_44, %get3A_45] : memref<128x128xf32, #tpu.memory_space<vmem>>, vector<128x128xf32>
    %add3A_47 = arith.addf %get3A_46, %dot_general3A_35 : vector<128x128xf32>
    %swap3A_48 = arith.constant 0 : index
    %swap3A_49 = arith.constant 0 : index
    %swap3A_50 = vector.load %arg7[%swap3A_48, %swap3A_49] : memref<128x128xf32, #tpu.memory_space<vmem>>, vector<128x128xf32>
    tpu.vector_store %arg7[%swap3A_48, %swap3A_49], %add3A_47 {strides = array<i32>} : memref<128x128xf32, #tpu.memory_space<vmem>>, vector<128x128xf32>,
    return
  }
  func.func @transform_0(%arg0: i32) -> (i32, i32) {
    %c0_i32 = arith.constant 0 : i32
    %c0_i32_0 = arith.constant 0 : i32
    return %arg0, %c0_i32 : i32, i32
  }
  func.func @transform_1(%arg0: i32) -> (i32, i32) {
    %c0_i32 = arith.constant 0 : i32
    %c0_i32_0 = arith.constant 0 : i32
    return %arg0, %c0_i32 : i32, i32
  }
  func.func @transform_2(%arg0: i32) -> (i32, i32) {
    %c0_i32 = arith.constant 0 : i32
    %c0_i32_0 = arith.constant 0 : i32
    %c0_i32_1 = arith.constant 0 : i32
    return %c0_i32, %c0_i32_0 : i32, i32
  }
  func.func @transform_3(%arg0: i32) -> (i32, i32) {
    %c0_i32 = arith.constant 0 : i32
    %c0_i32_0 = arith.constant 0 : i32
    %c0_i32_1 = arith.constant 0 : i32
    return %c0_i32, %c0_i32_0 : i32, i32
  }
  func.func @transform_4(%arg0: i32) -> (i32, i32) {
    %c0_i32 = arith.constant 0 : i32
    %c0_i32_0 = arith.constant 0 : i32
    %c0_i32_1 = arith.constant 0 : i32
    return %c0_i32, %c0_i32_0 : i32, i32
  }
  func.func @transform_5(%arg0: i32) -> (i32, i32) {
    %c0_i32 = arith.constant 0 : i32
    %c0_i32_0 = arith.constant 0 : i32
    %c0_i32_1 = arith.constant 0 : i32
    return %c0_i32, %c0_i32_0 : i32, i32
  }
  func.func @transform_6(%arg0: i32) -> (i32, i32) {
    %c0_i32 = arith.constant 0 : i32
    %c0_i32_0 = arith.constant 0 : i32
    %c0_i32_1 = arith.constant 0 : i32
    return %c0_i32, %c0_i32_0 : i32, i32
  }
}

module attributes {stable_mosaic.version = 14 : i64} {
  func.func @_asm_body(%arg0: memref<1x128xf32, #tpu.memory_space<vmem>>, %arg1: memref<128x128xf32, #tpu.memory_space<vmem>>, %arg2: memref<128x256xf32, #tpu.memory_space<vmem>>, %arg3: memref<1x256xf32, #tpu.memory_space<vmem>>, %arg4: memref<1x256xf32, #tpu.memory_space<vmem>>, %arg5: memref<1x256xf32, #tpu.memory_space<vmem>>) attributes {dimension_semantics = [], scalar_prefetch = 0 : i64, scratch_operands = 0 : i64, tpu.core_type = #tpu.core_type<tc>} {
    %get3A = arith.constant 0 : index
    %get3A_0 = arith.constant 0 : index
    %get3A_1 = vector.load %arg2[%get3A, %get3A_0] : memref<128x256xf32, #tpu.memory_space<vmem>>, vector<128x256xf32>
    %get3A_2 = arith.constant 0 : index
    %get3A_3 = arith.constant 0 : index
    %get3A_4 = vector.load %arg0[%get3A_2, %get3A_3] : memref<1x128xf32, #tpu.memory_space<vmem>>, vector<1x128xf32>
    %dot_general3A = arith.constant dense<0.000000e+00> : vector<1x256xf32>
    %dot_general3A_5 = tpu.matmul %get3A_4, %get3A_1, %dot_general3A {dimension_numbers = #tpu.dot_dimension_numbers<[1], [0], [0], [1], [0, 0, 1, 1], [], []>, transpose_lhs_hint = false} : vector<1x128xf32>, vector<128x256xf32>, vector<1x256xf32> -> vector<1x256xf32>
    %get3A_6 = arith.constant 0 : index
    %get3A_7 = arith.constant 0 : index
    %get3A_8 = vector.load %arg1[%get3A_6, %get3A_7] : memref<128x128xf32, #tpu.memory_space<vmem>>, vector<128x128xf32>
    %dot_general3A_9 = arith.constant dense<0.000000e+00> : vector<128x256xf32>
    %dot_general3A_10 = tpu.matmul %get3A_8, %get3A_1, %dot_general3A_9 {dimension_numbers = #tpu.dot_dimension_numbers<[1], [0], [0], [1], [0, 0, 1, 1], [], []>, transpose_lhs_hint = false} : vector<128x128xf32>, vector<128x256xf32>, vector<128x256xf32> -> vector<128x256xf32>
    %mul3A = arith.mulf %dot_general3A_10, %get3A_1 : vector<128x256xf32>
    %reduce_sum3A = arith.constant dense<0.000000e+00> : vector<256xf32>
    %reduce_sum3A_11 = vector.multi_reduction <add>, %mul3A, %reduce_sum3A [0] : vector<128x256xf32> to vector<256xf32>
    %broadcast_in_dim3A = vector.shape_cast %reduce_sum3A_11 : vector<256xf32> to vector<1x256xf32>
    %get3A_12 = arith.constant 0 : index
    %get3A_13 = arith.constant 0 : index
    %get3A_14 = vector.load %arg3[%get3A_12, %get3A_13] : memref<1x256xf32, #tpu.memory_space<vmem>>, vector<1x256xf32>
    %mul3A_15 = arith.constant 5.242880e+05 : f32
    %mul3A_16 = vector.broadcast %mul3A_15 : f32 to vector<1x256xf32>
    %mul3A_17 = arith.mulf %mul3A_16, %get3A_14 : vector<1x256xf32>
    %add3A = arith.addf %dot_general3A_5, %mul3A_17 : vector<1x256xf32>
    %swap3A = arith.constant 0 : index
    %swap3A_18 = arith.constant 0 : index
    %swap3A_19 = vector.load %arg4[%swap3A, %swap3A_18] : memref<1x256xf32, #tpu.memory_space<vmem>>, vector<1x256xf32>
    tpu.vector_store %arg4[%swap3A, %swap3A_18], %add3A {strides = array<i32>} : memref<1x256xf32, #tpu.memory_space<vmem>>, vector<1x256xf32>,
    %mul3A_20 = arith.constant 2.000000e+00 : f32
    %mul3A_21 = vector.broadcast %mul3A_20 : f32 to vector<1x256xf32>
    %mul3A_22 = arith.mulf %mul3A_21, %get3A_14 : vector<1x256xf32>
    %mul3A_23 = arith.mulf %mul3A_22, %dot_general3A_5 : vector<1x256xf32>
    %add3A_24 = arith.addf %broadcast_in_dim3A, %mul3A_23 : vector<1x256xf32>
    %mul3A_25 = arith.constant 5.242880e+05 : f32
    %mul3A_26 = vector.broadcast %mul3A_25 : f32 to vector<1x256xf32>
    %mul3A_27 = arith.mulf %mul3A_26, %get3A_14 : vector<1x256xf32>
    %mul3A_28 = arith.mulf %mul3A_27, %get3A_14 : vector<1x256xf32>
    %add3A_29 = arith.addf %add3A_24, %mul3A_28 : vector<1x256xf32>
    %swap3A_30 = arith.constant 0 : index
    %swap3A_31 = arith.constant 0 : index
    %swap3A_32 = vector.load %arg5[%swap3A_30, %swap3A_31] : memref<1x256xf32, #tpu.memory_space<vmem>>, vector<1x256xf32>
    tpu.vector_store %arg5[%swap3A_30, %swap3A_31], %add3A_29 {strides = array<i32>} : memref<1x256xf32, #tpu.memory_space<vmem>>, vector<1x256xf32>,
    return
  }
}

module attributes {stable_mosaic.version = 14 : i64} {
  func.func @_p4_body(%arg0: i32, %arg1: memref<16384x64xf32, #tpu.memory_space<vmem>>, %arg2: memref<256x128xf32, #tpu.memory_space<vmem>>, %arg3: memref<1x128xf32, #tpu.memory_space<vmem>>, %arg4: memref<128x128xf32, #tpu.memory_space<vmem>>, %arg5: memref<1x128xf32, #tpu.memory_space<vmem>>, %arg6: memref<128x256xf32, #tpu.memory_space<vmem>>, %arg7: memref<1x256xf32, #tpu.memory_space<vmem>>, %arg8: memref<256x256xf32, #tpu.memory_space<vmem>>) attributes {dimension_semantics = [#tpu.dimension_semantics<arbitrary>], iteration_bounds = array<i64: 32>, scalar_prefetch = 0 : i64, scratch_operands = 0 : i64, tpu.core_type = #tpu.core_type<tc>, window_params = [{transform_indices = @transform_0, window_bounds = array<i64: 16384, 64>}, {transform_indices = @transform_1, window_bounds = array<i64: 256, 128>}, {pipeline_mode = #tpu.pipeline_mode<synchronous>, transform_indices = @transform_2, window_bounds = array<i64: 1, 128>}, {pipeline_mode = #tpu.pipeline_mode<synchronous>, transform_indices = @transform_3, window_bounds = array<i64: 128, 128>}, {pipeline_mode = #tpu.pipeline_mode<synchronous>, transform_indices = @transform_4, window_bounds = array<i64: 1, 128>}, {pipeline_mode = #tpu.pipeline_mode<synchronous>, transform_indices = @transform_5, window_bounds = array<i64: 128, 256>}, {pipeline_mode = #tpu.pipeline_mode<synchronous>, transform_indices = @transform_6, window_bounds = array<i64: 1, 256>}, {transform_indices = @transform_7, window_bounds = array<i64: 256, 256>}]} {
    %get3A = arith.constant 0 : index
    %get3A_0 = arith.constant 0 : index
    %get3A_1 = vector.load %arg1[%get3A, %get3A_0] : memref<16384x64xf32, #tpu.memory_space<vmem>>, vector<16384x64xf32>
    %bitcast_convert_type3A = tpu.bitcast %get3A_1 : vector<16384x64xf32> -> vector<16384x64xi32>
    %shift_left3A = arith.constant 16 : i32
    %shift_left3A_2 = vector.broadcast %shift_left3A : i32 to vector<16384x64xi32>
    %shift_left3A_3 = arith.shli %bitcast_convert_type3A, %shift_left3A_2 : vector<16384x64xi32>
    %bitcast_convert_type3A_4 = tpu.bitcast %shift_left3A_3 : vector<16384x64xi32> -> vector<16384x64xf32>
    %and3A = arith.constant -65536 : i32
    %and3A_5 = vector.broadcast %and3A : i32 to vector<16384x64xi32>
    %and3A_6 = arith.andi %bitcast_convert_type3A, %and3A_5 : vector<16384x64xi32>
    %bitcast_convert_type3A_7 = tpu.bitcast %and3A_6 : vector<16384x64xi32> -> vector<16384x64xf32>
    %concatenate3A = tpu.concatenate %bitcast_convert_type3A_4, %bitcast_convert_type3A_7 in 1 : vector<16384x64xf32>, vector<16384x64xf32> -> vector<16384x128xf32>
    %reshape3A = vector.shape_cast %concatenate3A : vector<16384x128xf32> to vector<256x64x128xf32>
    %get3A_8 = arith.constant 0 : index
    %get3A_9 = arith.constant 0 : index
    %get3A_10 = vector.load %arg3[%get3A_8, %get3A_9] : memref<1x128xf32, #tpu.memory_space<vmem>>, vector<1x128xf32>
    %broadcast_in_dim3A = vector.shape_cast %get3A_10 : vector<1x128xf32> to vector<1x1x128xf32>
    %mul3A = vector.broadcast %broadcast_in_dim3A : vector<1x1x128xf32> to vector<256x64x128xf32>
    %mul3A_11 = arith.mulf %reshape3A, %mul3A : vector<256x64x128xf32>
    %get3A_12 = arith.constant 0 : index
    %get3A_13 = arith.constant 0 : index
    %get3A_14 = vector.load %arg2[%get3A_12, %get3A_13] : memref<256x128xf32, #tpu.memory_space<vmem>>, vector<256x128xf32>
    %broadcast_in_dim3A_15 = vector.shape_cast %get3A_14 : vector<256x128xf32> to vector<256x1x128xf32>
    %add3A = vector.broadcast %broadcast_in_dim3A_15 : vector<256x1x128xf32> to vector<256x64x128xf32>
    %add3A_16 = arith.addf %mul3A_11, %add3A : vector<256x64x128xf32>
    %max3A = arith.constant 0.000000e+00 : f32
    %max3A_17 = vector.broadcast %max3A : f32 to vector<256x64x128xf32>
    %max3A_18 = arith.maximumf %add3A_16, %max3A_17 : vector<256x64x128xf32>
    %reshape3A_19 = vector.shape_cast %max3A_18 : vector<256x64x128xf32> to vector<16384x128xf32>
    %get3A_20 = arith.constant 0 : index
    %get3A_21 = arith.constant 0 : index
    %get3A_22 = vector.load %arg4[%get3A_20, %get3A_21] : memref<128x128xf32, #tpu.memory_space<vmem>>, vector<128x128xf32>
    %dot_general3A = arith.constant dense<0.000000e+00> : vector<16384x128xf32>
    %dot_general3A_23 = tpu.matmul %reshape3A_19, %get3A_22, %dot_general3A {dimension_numbers = #tpu.dot_dimension_numbers<[1], [0], [0], [1], [0, 0, 1, 1], [], []>, transpose_lhs_hint = false} : vector<16384x128xf32>, vector<128x128xf32>, vector<16384x128xf32> -> vector<16384x128xf32>
    %get3A_24 = arith.constant 0 : index
    %get3A_25 = arith.constant 0 : index
    %get3A_26 = vector.load %arg5[%get3A_24, %get3A_25] : memref<1x128xf32, #tpu.memory_space<vmem>>, vector<1x128xf32>
    %add3A_27 = vector.broadcast %get3A_26 : vector<1x128xf32> to vector<16384x128xf32>
    %add3A_28 = arith.addf %dot_general3A_23, %add3A_27 : vector<16384x128xf32>
    %max3A_29 = arith.constant 0.000000e+00 : f32
    %max3A_30 = vector.broadcast %max3A_29 : f32 to vector<16384x128xf32>
    %max3A_31 = arith.maximumf %add3A_28, %max3A_30 : vector<16384x128xf32>
    %get3A_32 = arith.constant 0 : index
    %get3A_33 = arith.constant 0 : index
    %get3A_34 = vector.load %arg6[%get3A_32, %get3A_33] : memref<128x256xf32, #tpu.memory_space<vmem>>, vector<128x256xf32>
    %dot_general3A_35 = arith.constant dense<0.000000e+00> : vector<16384x256xf32>
    %dot_general3A_36 = tpu.matmul %max3A_31, %get3A_34, %dot_general3A_35 {dimension_numbers = #tpu.dot_dimension_numbers<[1], [0], [0], [1], [0, 0, 1, 1], [], []>, transpose_lhs_hint = false} : vector<16384x128xf32>, vector<128x256xf32>, vector<16384x256xf32> -> vector<16384x256xf32>
    %get3A_37 = arith.constant 0 : index
    %get3A_38 = arith.constant 0 : index
    %get3A_39 = vector.load %arg7[%get3A_37, %get3A_38] : memref<1x256xf32, #tpu.memory_space<vmem>>, vector<1x256xf32>
    %add3A_40 = vector.broadcast %get3A_39 : vector<1x256xf32> to vector<16384x256xf32>
    %add3A_41 = arith.addf %dot_general3A_36, %add3A_40 : vector<16384x256xf32>
    %max3A_42 = arith.constant 0.000000e+00 : f32
    %max3A_43 = vector.broadcast %max3A_42 : f32 to vector<16384x256xf32>
    %max3A_44 = arith.maximumf %add3A_41, %max3A_43 : vector<16384x256xf32>
    %reshape3A_45 = vector.shape_cast %max3A_44 : vector<16384x256xf32> to vector<256x64x256xf32>
    %reduce_max3A = arith.constant dense<0xFF800000> : vector<256x256xf32>
    %reduce_max3A_46 = vector.multi_reduction <maximumf>, %reshape3A_45, %reduce_max3A [1] : vector<256x64x256xf32> to vector<256x256xf32>
    %swap3A = arith.constant 0 : index
    %swap3A_47 = arith.constant 0 : index
    %swap3A_48 = vector.load %arg8[%swap3A, %swap3A_47] : memref<256x256xf32, #tpu.memory_space<vmem>>, vector<256x256xf32>
    tpu.vector_store %arg8[%swap3A, %swap3A_47], %reduce_max3A_46 {strides = array<i32>} : memref<256x256xf32, #tpu.memory_space<vmem>>, vector<256x256xf32>,
    return
  }
  func.func @transform_0(%arg0: i32) -> (i32, i32) {
    %c0_i32 = arith.constant 0 : i32
    %c0_i32_0 = arith.constant 0 : i32
    return %arg0, %c0_i32 : i32, i32
  }
  func.func @transform_1(%arg0: i32) -> (i32, i32) {
    %c0_i32 = arith.constant 0 : i32
    %c0_i32_0 = arith.constant 0 : i32
    return %arg0, %c0_i32 : i32, i32
  }
  func.func @transform_2(%arg0: i32) -> (i32, i32) {
    %c0_i32 = arith.constant 0 : i32
    %c0_i32_0 = arith.constant 0 : i32
    %c0_i32_1 = arith.constant 0 : i32
    return %c0_i32, %c0_i32_0 : i32, i32
  }
  func.func @transform_3(%arg0: i32) -> (i32, i32) {
    %c0_i32 = arith.constant 0 : i32
    %c0_i32_0 = arith.constant 0 : i32
    %c0_i32_1 = arith.constant 0 : i32
    return %c0_i32, %c0_i32_0 : i32, i32
  }
  func.func @transform_4(%arg0: i32) -> (i32, i32) {
    %c0_i32 = arith.constant 0 : i32
    %c0_i32_0 = arith.constant 0 : i32
    %c0_i32_1 = arith.constant 0 : i32
    return %c0_i32, %c0_i32_0 : i32, i32
  }
  func.func @transform_5(%arg0: i32) -> (i32, i32) {
    %c0_i32 = arith.constant 0 : i32
    %c0_i32_0 = arith.constant 0 : i32
    %c0_i32_1 = arith.constant 0 : i32
    return %c0_i32, %c0_i32_0 : i32, i32
  }
  func.func @transform_6(%arg0: i32) -> (i32, i32) {
    %c0_i32 = arith.constant 0 : i32
    %c0_i32_0 = arith.constant 0 : i32
    %c0_i32_1 = arith.constant 0 : i32
    return %c0_i32, %c0_i32_0 : i32, i32
  }
  func.func @transform_7(%arg0: i32) -> (i32, i32) {
    %c0_i32 = arith.constant 0 : i32
    %c0_i32_0 = arith.constant 0 : i32
    return %arg0, %c0_i32 : i32, i32
  }
}

</mosaic_0001>

<sc_bundles>
// kernel: kernel.12.cloned.1.call-start
scs
__scs_entry_jumppad:
0x0: {  	(pc) =	sbr.rel $0x88, $3  }
0x1: {  	(tag) =	ssettag $0x0;
	lr =	simm.s32 $0x1  }
0x2: {  	[smem:$0x3F93] =	sst lr;
	_ =	strace $0xD0000000  }
0x3: {  	_ = 	snop  }
0x4: {  	_ = 	snop  }
0x5: {  	_ = 	snop  }
0x6: {  	_ = 	snop  }
0x7: {  	_ = 	snop  }
__scs_overlays_trampoline_lowered:
0x8: {  	[smem:$0x3FA2] =	sst s0  }
0x9: {  	[smem:$0x3FA3] =	sst s1  }
0xa: {  	[smem:$0x3FA4] =	sst s2  }
0xb: {  	[smem:$0x3FA5] =	sst s3  }
0xc: {  	[smem:$0x3FA6] =	sst s4  }
0xd: {  	[smem:$0x3FA7] =	sst s5  }
0xe: {  	[smem:$0x3FA8] =	sst s6  }
0xf: {  	[smem:$0x3FA9] =	sst s7  }
0x10: {  	[smem:$0x3FAA] =	sst s8  }
0x11: {  	[smem:$0x3FAB] =	sst s9;
	s0 =	simm.s32 @!p0 $0x0  }
0x12: {  	s1 =	sld [smem:$0x3F91];
	s0 =	simm.s32 @p0 $0x1  }
0x13: {  	[smem:$0x3FAC] =	sst s0;
	s0 =	simm.s32 @!p1 $0x0  }
0x14: {  	s2 =	sld [smem:$0x3F90];
	s0 =	simm.s32 @p1 $0x1  }
0x15: {  	[smem:$0x3FAD] =	sst s0;
	s0 =	simm.s32 @!p2 $0x0  }
0x16: {  	s3 =	sld [smem:$0x3FDB];
	s0 =	simm.s32 @p2 $0x1  }
0x17: {  	s4 =	simm.s32 $0x1BF5;
	[smem:$0x3FAF] =	sst s0  }
0x18: {  	s0 =	sld [smem:$0x3F92];
	_ =	swait.ge [sflag:s4], $0x0  }
0x19: {  	s7 =	sld [smem:$0x3F93]  }
0x1a: {  	s8 =	sadd.s32 $0xFFFFE003, lr  }
0x1b: {  	s9 =	sadd.s32 $0xFFFFFEF7, lr;
	s5 =	simm.s32 $0xFFFFFFFF;
	p2 =	slt.u32 s8, $0xFFFFF086  }
0x1c: {  	p1 =	slt.u32 s9, $0xF7A;
	s5 =	simm.s32 @!p2 $0x0  }
0x1d: {  	s5 =	simm.s32 @p1 $0x1;
	p0 =	seq.s32 s7, s2  }
0x1e: {  	s7 =	smul.u32 @!p0 $0xF7A, s2;
	p2 =	seq.s32 @!p0 s5, $0x0  }
0x1f: {  	s9 =	smul.u32 $0xF7A, s1;
	s8 =	simm.s32 @!p0 $0x1BF5;
	p2 =	por !p2, p0  }
0x20: {  	[sflag:s8] =	ssyncset.s32 @!p0 $0xFFFFF086;
	s6 =	sadd.s32 @!p0 s3, s7;
	s7 =	simm.s32 @!p0 $0x108  }
0x21: {  	s3 =	sadd.s32 s3, s9;
	s6 =	sadd.s32 @!p0 $0x88, s6;
	s7 =	simm.s32 @p2 $0x1082  }
0x22: {  	[simem:s7], [sflag:s8] =	dma.local @!p0 [hbm:s6], $0xF7A  }
0x23: {  	s9 =	sor.u32 $0xD0000000, s2;
	s6 =	simm.s32 $0x108;
	_ =	swait.ge @!p0 [sflag:s8], $0x0  }
0x24: {  	s3 =	sadd.s32 $0x88, s3;
	s6 =	simm.s32 @!p1 $0x1082;
	[sflag:s4] =	ssyncset.s32 $0xFFFFF086  }
0x25: {  	[simem:s6], [sflag:s4] =	dma.local [hbm:s3], $0xF7A  }
0x26: {  	[smem:$0x3F93] =	sst s1;
	(tag) =	ssettag s2;
	_ =	strace s9  }
0x27: {  	s1 =	sld [smem:$0x3FA3]  }
0x28: {  	s2 =	sld [smem:$0x3FA4]  }
0x29: {  	s4 =	sld [smem:$0x3FA6]  }
0x2a: {  	p0 =	seq.s32 s5, $0x0;
	s5 =	sld [smem:$0x3FA7]  }
0x2b: {  	s6 =	sld [smem:$0x3FA8]  }
0x2c: {  	s7 =	sld [smem:$0x3FA9]  }
0x2d: {  	s3 =	simm.s32 $0x108;
	s8 =	sld [smem:$0x3FAA]  }
0x2e: {  	s3 =	simm.s32 @!p0 $0x1082;
	s9 =	sld [smem:$0x3FAB]  }
0x2f: {  	lr =	sadd.s32 s0, s3;
	s0 =	sld [smem:$0x3FA2]  }
0x30: {  	s3 =	sld [smem:$0x3FA5]  }
0x31: {  	[smem:$0x3FAE] =	sst s10  }
0x32: {  	s10 =	sld [smem:$0x3FAC];
	_ =	sdelay $0x3  }
0x33: {  	p0 =	seq.s32 s10, $0x1;
	s10 =	sld [smem:$0x3FAE];
	_ =	sdelay $0x3  }
0x34: {  	[smem:$0x3FAE] =	sst s10  }
0x35: {  	s10 =	sld [smem:$0x3FAD];
	_ =	sdelay $0x3  }
0x36: {  	p1 =	seq.s32 s10, $0x1;
	s10 =	sld [smem:$0x3FAE];
	_ =	sdelay $0x3  }
0x37: {  	[smem:$0x3FAE] =	sst s10  }
0x38: {  	s10 =	sld [smem:$0x3FAF]  }
0x39: {  	_ = 	snop;
	(pc) =	sbr.ind lr, $3  }
0x3a: {  	_ = 	snop  }
0x3b: {  	_ = 	snop  }
0x3c: {  	p2 =	seq.s32 s10, $0x1;
	s10 =	sld [smem:$0x3FAE]  }
0x3d: {  	_ =	shalt  }
0x3e: {  	_ =	shalt  }
0x3f: {  	_ =	shalt  }
0x40: {  	_ =	shalt  }
0x41: {  	_ =	shalt  }
0x42: {  	_ =	shalt  }
0x43: {  	_ =	shalt  }
0x44: {  	_ =	shalt  }
0x45: {  	_ =	shalt  }
0x46: {  	_ =	shalt  }
0x47: {  	_ =	shalt  }
0x48: {  	_ =	shalt  }
0x49: {  	_ =	shalt  }
0x4a: {  	_ =	shalt  }
0x4b: {  	_ =	shalt  }
0x4c: {  	_ =	shalt  }
0x4d: {  	_ =	shalt  }
0x4e: {  	_ =	shalt  }
0x4f: {  	_ =	shalt  }
0x50: {  	_ =	shalt  }
0x51: {  	_ =	shalt  }
0x52: {  	_ =	shalt  }
0x53: {  	_ =	shalt  }
0x54: {  	_ =	shalt  }
0x55: {  	_ =	shalt  }
0x56: {  	_ =	shalt  }
0x57: {  	_ =	shalt  }
0x58: {  	_ =	shalt  }
0x59: {  	_ =	shalt  }
0x5a: {  	_ =	shalt  }
0x5b: {  	_ =	shalt  }
0x5c: {  	_ =	shalt  }
0x5d: {  	_ =	shalt  }
0x5e: {  	_ =	shalt  }
0x5f: {  	_ =	shalt  }
0x60: {  	_ =	shalt  }
0x61: {  	_ =	shalt  }
0x62: {  	_ =	shalt  }
0x63: {  	_ =	shalt  }
0x64: {  	_ =	shalt  }
0x65: {  	_ =	shalt  }
0x66: {  	_ =	shalt  }
0x67: {  	_ =	shalt  }
0x68: {  	_ =	shalt  }
0x69: {  	_ =	shalt  }
0x6a: {  	_ =	shalt  }
0x6b: {  	_ =	shalt  }
0x6c: {  	_ =	shalt  }
0x6d: {  	_ =	shalt  }
0x6e: {  	_ =	shalt  }
0x6f: {  	_ =	shalt  }
0x70: {  	_ =	shalt  }
0x71: {  	_ =	shalt  }
0x72: {  	_ =	shalt  }
0x73: {  	_ =	shalt  }
0x74: {  	_ =	shalt  }
0x75: {  	_ =	shalt  }
0x76: {  	_ =	shalt  }
0x77: {  	_ =	shalt  }
0x78: {  	_ =	shalt  }
0x79: {  	_ =	shalt  }
0x7a: {  	_ =	shalt  }
0x7b: {  	_ =	shalt  }
0x7c: {  	_ =	shalt  }
0x7d: {  	_ =	shalt  }
0x7e: {  	_ =	shalt  }
0x7f: {  	_ =	shalt  }
0x80: {  	_ =	shalt  }
0x81: {  	_ =	shalt  }
0x82: {  	_ =	shalt  }
0x83: {  	_ =	shalt  }
0x84: {  	_ =	shalt  }
0x85: {  	_ =	shalt  }
0x86: {  	_ =	shalt  }
0x87: {  	_ =	shalt  }
.Lfunc_end0:
.L_simem_size_0:
called_computation_lowered:
.L_overlay_start_0:
0x88: {  	s2 =	sld [smem:$0x3FD9]  }
0x89: {  	s3 =	sld [smem:$0x3FFE];
	_ =	sdelay $0x1  }
0x8a: {  	s1 =	srdreg.scid  }
0x8b: {  	s0 =	sand.u32 $0x1, s1  }
0x8c: {  	s16 =	sshll.u32 s0, $0xA;
	s2 =	sadd.s32 s3, s2  }
0x8d: {  	s2 =	sadd.s32 s2, s16  }
0x8e: {  	[smem:$0x3FBA] =	sst s2  }
0x8f: {  	_ = 	snop  }
0x90: {  	(tm) =	ssettm $0x1  }
0x91: {  	s17 =	sld [smem:$0x3FFB];
	_ =	sdelay $0x3  }
0x92: {  	_ =	strace s17  }
0x93: {  	s2 =	sld [smem:$0x3FFC];
	_ =	sdelay $0x3  }
0x94: {  	_ =	strace s2  }
0x95: {  	s2 =	sld [smem:$0x3FFD];
	_ =	sdelay $0x3  }
0x96: {  	_ =	strace s2  }
0x97: {  	_ =	strace $0x8FFFFFFF  }
0x98: {  	s18 =	sld [smem:$0x3FDB];
	_ =	sdelay $0x1  }
0x99: {  	s19 =	simm.s32 $_scs_section_size  }
0x9a: {  	s4 =	simm.s32 $_size__tile_overlayer_lowered;
	s5 =	simm.s32 $_tile_overlayer_lowered  }
0x9b: {  	s22 =	simm.s32 $0x1BFF;
	s21 =	sshll.u32 s5, $0x1;
	s2 =	sadd.s32 s19, s18  }
0x9c: {  	s6 =	simm.s32 $0x0;
	s20 =	sshll.u32 s4, $0x1;
	s4 =	sadd.s32 s21, s2  }
0x9d: {  	[timem:s6], [sflag:s22] =	dma.local [hbm:s4], s20  }
0x9e: {  	_ =	swait.ge [sflag:s22], s20  }
0x9f: {  	s3 =	ssub.s32 $0x0, s20;
	[sflag:s22] =	ssyncset.done $0x0  }
0xa0: {  	[sflag:s22] =	ssyncadd.s32 s3;
	_ =	sdelay $0x1  }
0xa1: {  	s23 =	simm.s32 $0x1B8B  }
0xa2: {  	_ =	swait.ge [sflag:s23], $0x1  }
0xa3: {  	[sflag:s23] =	ssyncset.done $0x0  }
0xa4: {  	s25 =	simm.s32 $0x1B8E;
	s24 =	sld [smem:$0x3FFE];
	[sflag:s23] =	ssyncadd.s32 $0xFFFFFFFF  }
0xa5: {  	s26 =	simm.s32 $execute0_lowered;
	[smem:$0x3FD2] =	sst s25  }
0xa6: {  	s4 =	sshll.u32 s26, $0x1;
	_ =	strace $0x80000046;
	[dreg:$0x1] =	wrdreg $0xFFFFFFFF  }
0xa7: {  	s28 =	simm.s32 $_size_execute0_lowered;
	s2 =	sadd.s32 s2, s4;
	[dreg:$0x0] =	wrdreg $0x0  }
0xa8: {  	s4 =	sshll.u32 s28, $0x1;
	[dreg:$0x2] =	wrdreg s2  }
0xa9: {  	[dreg:$0x3] =	wrdreg s4  }
0xaa: {  	[dreg:$0x4] =	wrdreg $0xC0  }
0xab: {  	_ =	task [dreg:s6], $0x5FFFF  }
0xac: {  	[dreg:$0x1] =	wrdreg $0xFFFFFFFF  }
0xad: {  	[dreg:$0x0] =	wrdreg $0x60  }
0xae: {  	[dreg:$0x2] =	wrdreg s24  }
0xaf: {  	[dreg:$0x3] =	wrdreg $0x9  }
0xb0: {  	_ =	task.clear_ibuf [dreg:s6], $0x4FFFF;
	_ =	strace $0x90000046  }
0xb1: {  	s29 =	simm.s32 $0x9;
	_ =	strace $0x80000048  }
0xb2: {  	_ =	swait.ge [sflag:s29], $0x1  }
0xb3: {  	[sflag:s29] =	ssyncadd.s32 $0xFFFFFFFF  }
0xb4: {  	_ =	strace $0x90000048  }
0xb5: {  	_ =	sfence  }
0xb6: {  	s30 =	sld [smem:$0x0];
	_ =	sdelay $0x2  }
0xb7: {  	s31 =	sshll.u32 s1, $0xD;
	s1 =	sshrl.u32 s1, $0x2  }
0xb8: {  	s3 =	sand.u32 $0x4000, s31;
	s1 =	sadd.s32 s1, s30  }
0xb9: {  	s0 =	sor.u32 s3, s0;
	s1 =	sshll.u32 s1, $0x11  }
0xba: {  	s0 =	sor.u32 s1, s0  }
0xbb: {  	s0 =	sadd.s32 $0x8F2B, s0  }
0xbc: {  	[sflag:s0] =	ssyncadd.remote.s32 $0x1  }
0xbd: {  	_ =	sfence.sel $0xFFFF  }
0xbe: {  	[dreg:$0x0] =	wrdreg $0xFFFFFFFF;
	(pc) =	sbr.abs _section_cstart, $3  }
0xbf: {  	[dreg:$0x1] =	wrdreg $0xFFFFFFFF  }
0xc0: {  	_ =	task.clear_ibuf [dreg:s6], $0x2FFFF;
	_ =	strace $0x9FFFFFFF  }
0xc1: {  	(tm) =	ssettm $0x7FFFFFFF  }
tec
execute0_lowered:
.L_overlay_start_1:
0x0: {  	(tag) =	ssettag $0x1  }
0x1: {  	s1 =	srdreg.scid;
	s0 =	stileid.u32  }
0x2: {  	s5 =	rddreg [dreg:$0x0];
	s2 =	simm.s32 $0x0;
	s9 =	simm.s32 $0x8880  }
0x3: {  	s10 =	simm.s32 $0x9100;
	s11 =	simm.s32 $0x0;
	s4 =	sand.u32 $0x1, s1  }
0x4: {  	s3 =	sshll.u32 s0, $0x9;
	[smem:$0x7FF] =	sst s2;
	s6 =	sshll.u32 s4, $0x8  }
0x5: {  	s7 =	ssub.s32 $0x2, s4;
	_ =	strace $0x80000047;
	s3 =	sor.u32 s6, s3  }
0x6: {  	s4 =	sadd.s32 $0x4200, s5;
	s8 =	sshrl.u32 s7, $0x1;
	s6 =	sshll.u32 s3, $0x4  }
0x7: {  	v0 =	vlaneseq.u32;
	v1 =	vimm.s32 $0x0;
	s7 =	ssub.s32 s7, s8;
	s8 =	simm.s32 $0x8000;
	s6 =	sadd.s32 s6, s5  }
0x8: {  	v2 =	vor.u32 $0x10, v0;
	v3 =	vor.u32 $0x20, v0;
	v4 =	vor.u32 $0x30, v0;
	s5 =	sadd.s32 $0x224200, s6;
	s6 =	smax.u32 s7, $0x1;
	s7 =	simm.s32 $0x1  }
.LBB2_1:
0x9: {  	s12 =	simm.s32 $0x0  }
.LBB2_2:
0xa: {  	s13 =	sshll.u32 s12, $0x4  }
0xb: {  	s14 =	sadd.s32 s3, s13  }
0xc: {  	s14 =	sshll.u32 s14, $0x8  }
0xd: {  	s15 =	sadd.s32 s4, s14;
	s14 =	simm.s32 $0x0  }
0xe: {  	[tilespmem:s14], [sflag:$0x1] =	stream.linear.gather [hbm4b:s15+s14], $0x8000, $0x38;
	[tilespmem:$0x11100] =	vst v63  }
0xf: {  	_ =	swait.ge [sflag:s7], $0x8000  }
0x10: {  	[sflag:s7] =	ssyncset.done $0x0  }
0x11: {  	s15 =	simm.s32 $0x0;
	[sflag:s7] =	ssyncadd.s32 $0xFFFF8000  }
.LBB2_3:
0x12: {  	s18 =	sshllo.u32 s15, $0x1;
	s16 =	sshll.u32 s15, $0xC  }
0x13: {  	s17 =	sshll.u32 s15, $0x8;
	s19 =	sand.u32 $0x3C00, s14;
	s23 =	sand.u32 $0x4000, s16  }
0x14: {  	s22 =	sand.u32 $0x300, s17;
	s26 =	sshll.u32 s18, $0x7;
	s19 =	sadd.s32 s19, s23  }
0x15: {  	s31 =	sand.u32 $0x70, s14;
	s20 =	sand.u32 $0x380, s26;
	s21 =	sadd.s32 s22, s19  }
0x16: {  	s19 =	sadd.s32 s20, s19;
	s21 =	sadd.s32 s31, s21  }
0x17: {  	s17 =	sadd.s32 s31, s19;
	v5 =	vld [tilespmem:s21+$0x0]  }
0x18: {  	v6 =	vld [tilespmem:s17+$0x0];
	_ =	sdelay $0x3  }
0x19: {  	vm1 =	vlt.f32 v5, $3.999999910e-02  }
0x1a: {  	vm0 =	vlt.f32 v6, $3.999999910e-02;
	v5 =	vsel vm1, $0x1, v1  }
0x1b: {  	v6 =	vsel vm0, $0x1, v1;
	(xrf0) =	vadd.scan.msk.s32 $0xffff, v5  }
0x1c: {  	(xrf0) =	vadd.scan.msk.s32 $0xffff, v6;
	_ =	sdelay $0x1  }
0x1d: {  	v5 =	vmov s14  }
0x1e: {  	v5 =	vadd.s32 $0xFFFFFFFF, v5  }
0x1f: {  	v7 =	vbroadcast v5, $0x0  }
0x20: {  	v8, _, _ =	vpop (xrf0)  }
0x21: {  	v9, _, _ =	vpop (xrf0);
	(v2sf) =	vpush v8, $0xF;
	v8 =	vadd.s32 v8, v7  }
0x22: {  	s29 =	simm.s32 $0x20;
	s28 =	simm.s32 $0x0;
	s25 =	simm.s32 $0x0;
	v7 =	vadd.s32 v9, v7;
	(v2sf) =	vpush v9, $0xF  }
0x23: {  	s24 =	simm.s32 $0x0;
	s26 =	simm.s32 $0x80;
	s17 =	sor.u32 $0x800, s16  }
0x24: {  	s30 =	sand.u32 $0x3C00, s26;
	s19 =	sshll.u32 s15, $0x1;
	s21 =	simm.s32 $0x10;
	v6 =	vor.u32 s16, v0;
	v5 =	vor.u32 s17, v0  }
.LBB2_4:
0x25: {  	p0 =	sne.s32 s29, $0x7F0;
	s30 =	sadd.s32 s30, s23;
	v9 =	vor.u32 s28, v6  }
0x26: {  	s31 =	sand.u32 $0x70, s21;
	s1 =	sadd.s32 s22, s30;
	[tilespmem:v8+s8+$0x0] =	vst.idx.msk vm1, v9;
	v8 =	vor.u32 s28, v5;
	s28 =	smov.u32 s21  }
0x27: {  	s30 =	sadd.s32 s20, s30;
	s21 =	smov.u32 s29;
	s1 =	sadd.s32 s31, s1;
	[tilespmem:v7+s9+$0x0] =	vst.idx.msk vm0, v8  }
0x28: {  	v7 =	vld [tilespmem:s1+$0x0];
	s1 =	sadd.s32 s31, s30  }
0x29: {  	v8 =	vld [tilespmem:s1+$0x0];
	_ =	sdelay $0x3  }
0x2a: {  	vm1 =	vlt.f32 v7, $3.999999910e-02  }
0x2b: {  	vm0 =	vlt.f32 v8, $3.999999910e-02;
	v7 =	vsel vm1, $0x1, v1  }
0x2c: {  	v8 =	vsel vm0, $0x1, v1;
	(xrf0) =	vadd.scan.msk.s32 $0xffff, v7  }
0x2d: {  	(xrf0) =	vadd.scan.msk.s32 $0xffff, v8;
	s1 =	spop (v2sf)  }
0x2e: {  	s25 =	sadd.s32 s25, s1;
	s1 =	spop (v2sf)  }
0x2f: {  	v7 =	vmov s25;
	s24 =	sadd.s32 s24, s1  }
0x30: {  	v7 =	vadd.s32 $0xFFFFFFFF, v7;
	v8 =	vmov s24  }
0x31: {  	v7 =	vbroadcast v7, $0x0;
	v8 =	vadd.s32 $0xFFFFFFFF, v8  }
.Ltmp0:
0x32: {  	v9 =	vbroadcast v8, $0x0;
	v10, _, _ =	vpop (xrf0);
	(pc) =	sbr.rel @p0 .LBB2_4-.Ltmp0, $4  }
0x33: {  	v8 =	vadd.s32 v10, v7;
	v11, _, _ =	vpop (xrf0);
	(v2sf) =	vpush v10, $0xF  }
0x34: {  	v7 =	vadd.s32 v11, v9;
	(v2sf) =	vpush v11, $0xF  }
0x35: {  	s26 =	sadd.s32 $0x80, s26  }
0x36: {  	s29 =	sadd.s32 $0x10, s29;
	s30 =	sand.u32 $0x3C00, s26  }
0x37: {  	_ =	sdelay $0x3  }
0x38: {  	s1 =	sadd.s32 s30, s23;
	v9 =	vor.u32 s28, v6  }
0x39: {  	s31 =	sand.u32 $0x70, s21;
	v61 =	vor.u32 s28, v5;
	s22 =	sadd.s32 s22, s1;
	[tilespmem:v8+s8+$0x0] =	vst.idx.msk vm1, v9  }
0x3a: {  	s1 =	sadd.s32 s20, s1;
	s22 =	sadd.s32 s31, s22;
	[tilespmem:v7+s9+$0x0] =	vst.idx.msk vm0, v61  }
0x3b: {  	s1 =	sadd.s32 s31, s1;
	v7 =	vld [tilespmem:s22+$0x0]  }
0x3c: {  	v8 =	vld [tilespmem:s1+$0x0];
	_ =	sdelay $0x3  }
0x3d: {  	vm6 =	vlt.f32 v7, $3.999999910e-02  }
0x3e: {  	vm7 =	vlt.f32 v8, $3.999999910e-02;
	v7 =	vsel vm6, $0x1, v1  }
0x3f: {  	v8 =	vsel vm7, $0x1, v1;
	(xrf0) =	vadd.scan.msk.s32 $0xffff, v7  }
0x40: {  	(xrf0) =	vadd.scan.msk.s32 $0xffff, v8;
	s23 =	spop (v2sf)  }
0x41: {  	s1 =	sadd.s32 s25, s23;
	s26 =	spop (v2sf)  }
0x42: {  	v7 =	vmov s1;
	s20 =	sadd.s32 s24, s26  }
0x43: {  	v7 =	vadd.s32 $0xFFFFFFFF, v7;
	v62 =	vmov s20  }
0x44: {  	v7 =	vbroadcast v7, $0x0;
	v8 =	vadd.s32 $0xFFFFFFFF, v62  }
0x45: {  	v8 =	vbroadcast v8, $0x0;
	v63, _, _ =	vpop (xrf0)  }
0x46: {  	v7 =	vadd.s32 v63, v7;
	v10, _, _ =	vpop (xrf0)  }
0x47: {  	v8 =	vadd.s32 v10, v8;
	_ =	sdelay $0x2  }
0x48: {  	v6 =	vor.u32 s21, v6  }
0x49: {  	v5 =	vor.u32 s21, v5;
	[tilespmem:v7+s8+$0x0] =	vst.idx.msk vm6, v6  }
0x4a: {  	[tilespmem:v8+s9+$0x0] =	vst.idx.msk vm7, v5  }
0x4b: {  	v5 =	vld [tilespmem:$0x8000];
	_ =	sdelay $0x2  }
0x4c: {  	(v2sf) =	vpush v63, $0xF  }
0x4d: {  	(v2sf) =	vpush v10, $0xF  }
0x4e: {  	(v2sf) =	vpush v5, $0x0;
	_ =	sdelay $0x1  }
0x4f: {  	v6 =	vld [tilespmem:$0x8880];
	_ =	sdelay $0x4  }
0x50: {  	(v2sf) =	vpush v6, $0x0;
	_ =	sdelay $0x5  }
0x51: {  	s28 =	spop (v2sf)  }
0x52: {  	s29 =	spop (v2sf);
	s1 =	sadd.s32 s1, s28  }
0x53: {  	s30 =	sadd.s32 s13, s19;
	p0 =	sgt.s32 s1, $0x0;
	v6 =	vmov s1;
	s21 =	spop (v2sf)  }
0x54: {  	s1 =	sshll.u32 s30, $0x7;
	vm8 =	vgt.s32 v6, v0;
	s16 =	smov.u32 @p0 s21  }
0x55: {  	s1 =	sand.u32 $0x3FFFFF80, s1;
	v5 =	vnsel vm8, s16, v5  }
0x56: {  	[tilespmem:s1+$0x9100] =	vst v5  }
0x57: {  	v5 =	vld [tilespmem:$0x8880];
	_ =	sdelay $0x1  }
0x58: {  	s31 =	sadd.s32 s20, s29  }
0x59: {  	s18 =	sadd.s32 s13, s18;
	v7 =	vmov s31;
	p0 =	sgt.s32 s31, $0x0;
	s20 =	spop (v2sf)  }
0x5a: {  	s18 =	sshll.u32 s18, $0x7;
	vm9 =	vgt.s32 v7, v0;
	s17 =	smov.u32 @p0 s20  }
0x5b: {  	s18 =	sand.u32 $0x3FFFFF80, s18;
	v5 =	vnsel vm9, s17, v5  }
0x5c: {  	[tilespmem:s18+$0x9100] =	vst v5  }
0x5d: {  	v5 =	vld [tilespmem:$0x8010];
	_ =	sdelay $0x3  }
0x5e: {  	vm10 =	vgt.s32 v6, v2  }
0x5f: {  	v5 =	vnsel vm10, s16, v5  }
0x60: {  	[tilespmem:s1+$0x9110] =	vst v5  }
0x61: {  	v5 =	vld [tilespmem:$0x8890];
	_ =	sdelay $0x3  }
0x62: {  	vm11 =	vgt.s32 v7, v2  }
0x63: {  	v5 =	vnsel vm11, s17, v5  }
0x64: {  	[tilespmem:s18+$0x9110] =	vst v5  }
0x65: {  	v5 =	vld [tilespmem:$0x8020];
	_ =	sdelay $0x3  }
0x66: {  	vm12 =	vgt.s32 v6, v3  }
0x67: {  	v5 =	vnsel vm12, s16, v5  }
0x68: {  	[tilespmem:s1+$0x9120] =	vst v5  }
0x69: {  	v5 =	vld [tilespmem:$0x88A0];
	_ =	sdelay $0x3  }
0x6a: {  	vm13 =	vgt.s32 v7, v3  }
0x6b: {  	v5 =	vnsel vm13, s17, v5  }
0x6c: {  	[tilespmem:s18+$0x9120] =	vst v5  }
0x6d: {  	v5 =	vld [tilespmem:$0x8030];
	_ =	sdelay $0x3  }
0x6e: {  	vm14 =	vgt.s32 v6, v4  }
0x6f: {  	v5 =	vnsel vm14, s16, v5  }
0x70: {  	[tilespmem:s1+$0x9130] =	vst v5  }
0x71: {  	s15 =	sadd.s32 $0x1, s15;
	v5 =	vld [tilespmem:$0x88B0]  }
0x72: {  	p0 =	sne.s32 s15, $0x8  }
.Ltmp1:
0x73: {  	_ = 	snop;
	(pc) =	sbr.rel @p0 .LBB2_3-.Ltmp1, $4  }
0x74: {  	_ = 	snop  }
0x75: {  	vm15 =	vgt.s32 v7, v4  }
0x76: {  	v5 =	vnsel vm15, s17, v5  }
0x77: {  	[tilespmem:s18+$0x9130] =	vst v5  }
0x78: {  	s12 =	sadd.s32 $0x1, s12  }
0x79: {  	p0 =	sne.s32 s12, $0x10  }
.Ltmp2:
0x7a: {  	_ = 	snop;
	(pc) =	sbr.rel @p0 .LBB2_2-.Ltmp2, $1  }
0x7b: {  	_ =	sdelay $0x3  }
0x7c: {  	s11 =	sadd.s32 $0x1, s11  }
0x7d: {  	p0 =	sne.s32 s11, s6  }
.Ltmp3:
0x7e: {  	_ = 	snop;
	(pc) =	sbr.rel @p0 .LBB2_1-.Ltmp3, $4  }
0x7f: {  	[hbm4b:s5+s2] =	stream.linear.scatter [tilespmem:s10], [sflag:$0x1], $0x8000, $0x38;
	[tilespmem:$0x11100] =	vst v63  }
0x80: {  	_ =	swait.ge [sflag:s7], $0x8000  }
0x81: {  	[sflag:s7] =	ssyncset.done $0x0  }
0x82: {  	[sflag:s7] =	ssyncadd.s32 $0xFFFF8000  }
0x83: {  	_ =	sfence.sel $0x180000  }
0x84: {  	[bflag:$0x0] =	sbarrier.arrive $0xFFFF  }
0x85: {  	_ =	strace $0x90000047  }
0x86: {  	[bflag:$0x2] =	sbarrier.arrive $0xFFFF  }
0x87: {  	p0 =	sne.s32 s0, $0x0;
	s0 =	rddreg [dreg:$0x1]  }
0x88: {  	s0 =	sadd.s32 @!p0 $0x100000, s0  }
0x89: {  	[sflag:s0] =	ssyncadd.tile.s32 @!p0 $0x1;
	_ =	shalt  }
.Lfunc_end2:
_tile_overlayer_lowered:
.L_overlay_start_2:
0x8a: {  	(tag) =	ssettag $0x2  }
0x8b: {  	s0 =	rddreg [dreg:$0x0];
	s2 =	stileid.u32  }
0x8c: {  	s1 =	rddreg [dreg:$0x1];
	p0 =	sne.s32 s2, $0x0  }
0x8d: {  	s3 =	rddreg [dreg:$0x2];
	[bflag:$0x3] =	sbarrier.arrive $0xFFFF;
	s2 =	simm.s32 @!p0 $0x1C01  }
0x8e: {  	[timem:s3], [sflag:s2] =	dma.local @!p0 [hbm:s0], s1  }
0x8f: {  	s0 =	simm.s32 @!p0 $0x1  }
0x90: {  	_ =	swait.ge @!p0 [sflag:s0], s1  }
0x91: {  	s1 =	ssub.s32 @!p0 $0x0, s1;
	[sflag:s0] =	ssyncset.done @!p0 $0x0  }
0x92: {  	[sflag:s0] =	ssyncadd.s32 @!p0 s1  }
0x93: {  	[bflag:$0x3] =	sbarrier.arrive $0xFFFF  }
0x94: {  	_ =	shalt  }

// kernel: kernel.15.cloned.1.call-start
scs
__scs_entry_jumppad:
0x0: {  	(pc) =	sbr.rel $0x88, $3  }
0x1: {  	(tag) =	ssettag $0x0;
	lr =	simm.s32 $0x1  }
0x2: {  	[smem:$0x3F93] =	sst lr;
	_ =	strace $0xD0000000  }
0x3: {  	_ = 	snop  }
0x4: {  	_ = 	snop  }
0x5: {  	_ = 	snop  }
0x6: {  	_ = 	snop  }
0x7: {  	_ = 	snop  }
__scs_overlays_trampoline_lowered:
0x8: {  	[smem:$0x3FA2] =	sst s0  }
0x9: {  	[smem:$0x3FA3] =	sst s1  }
0xa: {  	[smem:$0x3FA4] =	sst s2  }
0xb: {  	[smem:$0x3FA5] =	sst s3  }
0xc: {  	[smem:$0x3FA6] =	sst s4  }
0xd: {  	[smem:$0x3FA7] =	sst s5  }
0xe: {  	[smem:$0x3FA8] =	sst s6  }
0xf: {  	[smem:$0x3FA9] =	sst s7  }
0x10: {  	[smem:$0x3FAA] =	sst s8  }
0x11: {  	[smem:$0x3FAB] =	sst s9;
	s0 =	simm.s32 @!p0 $0x0  }
0x12: {  	s1 =	sld [smem:$0x3F91];
	s0 =	simm.s32 @p0 $0x1  }
0x13: {  	[smem:$0x3FAC] =	sst s0;
	s0 =	simm.s32 @!p1 $0x0  }
0x14: {  	s2 =	sld [smem:$0x3F90];
	s0 =	simm.s32 @p1 $0x1  }
0x15: {  	[smem:$0x3FAD] =	sst s0;
	s0 =	simm.s32 @!p2 $0x0  }
0x16: {  	s3 =	sld [smem:$0x3FDB];
	s0 =	simm.s32 @p2 $0x1  }
0x17: {  	s4 =	simm.s32 $0x1BF5;
	[smem:$0x3FAF] =	sst s0  }
0x18: {  	s0 =	sld [smem:$0x3F92];
	_ =	swait.ge [sflag:s4], $0x0  }
0x19: {  	s7 =	sld [smem:$0x3F93]  }
0x1a: {  	s8 =	sadd.s32 $0xFFFFE003, lr  }
0x1b: {  	s9 =	sadd.s32 $0xFFFFFEF7, lr;
	s5 =	simm.s32 $0xFFFFFFFF;
	p2 =	slt.u32 s8, $0xFFFFF086  }
0x1c: {  	p1 =	slt.u32 s9, $0xF7A;
	s5 =	simm.s32 @!p2 $0x0  }
0x1d: {  	s5 =	simm.s32 @p1 $0x1;
	p0 =	seq.s32 s7, s2  }
0x1e: {  	s7 =	smul.u32 @!p0 $0xF7A, s2;
	p2 =	seq.s32 @!p0 s5, $0x0  }
0x1f: {  	s9 =	smul.u32 $0xF7A, s1;
	s8 =	simm.s32 @!p0 $0x1BF5;
	p2 =	por !p2, p0  }
0x20: {  	[sflag:s8] =	ssyncset.s32 @!p0 $0xFFFFF086;
	s6 =	sadd.s32 @!p0 s3, s7;
	s7 =	simm.s32 @!p0 $0x108  }
0x21: {  	s3 =	sadd.s32 s3, s9;
	s6 =	sadd.s32 @!p0 $0x88, s6;
	s7 =	simm.s32 @p2 $0x1082  }
0x22: {  	[simem:s7], [sflag:s8] =	dma.local @!p0 [hbm:s6], $0xF7A  }
0x23: {  	s9 =	sor.u32 $0xD0000000, s2;
	s6 =	simm.s32 $0x108;
	_ =	swait.ge @!p0 [sflag:s8], $0x0  }
0x24: {  	s3 =	sadd.s32 $0x88, s3;
	s6 =	simm.s32 @!p1 $0x1082;
	[sflag:s4] =	ssyncset.s32 $0xFFFFF086  }
0x25: {  	[simem:s6], [sflag:s4] =	dma.local [hbm:s3], $0xF7A  }
0x26: {  	[smem:$0x3F93] =	sst s1;
	(tag) =	ssettag s2;
	_ =	strace s9  }
0x27: {  	s1 =	sld [smem:$0x3FA3]  }
0x28: {  	s2 =	sld [smem:$0x3FA4]  }
0x29: {  	s4 =	sld [smem:$0x3FA6]  }
0x2a: {  	p0 =	seq.s32 s5, $0x0;
	s5 =	sld [smem:$0x3FA7]  }
0x2b: {  	s6 =	sld [smem:$0x3FA8]  }
0x2c: {  	s7 =	sld [smem:$0x3FA9]  }
0x2d: {  	s3 =	simm.s32 $0x108;
	s8 =	sld [smem:$0x3FAA]  }
0x2e: {  	s3 =	simm.s32 @!p0 $0x1082;
	s9 =	sld [smem:$0x3FAB]  }
0x2f: {  	lr =	sadd.s32 s0, s3;
	s0 =	sld [smem:$0x3FA2]  }
0x30: {  	s3 =	sld [smem:$0x3FA5]  }
0x31: {  	[smem:$0x3FAE] =	sst s10  }
0x32: {  	s10 =	sld [smem:$0x3FAC];
	_ =	sdelay $0x3  }
0x33: {  	p0 =	seq.s32 s10, $0x1;
	s10 =	sld [smem:$0x3FAE];
	_ =	sdelay $0x3  }
0x34: {  	[smem:$0x3FAE] =	sst s10  }
0x35: {  	s10 =	sld [smem:$0x3FAD];
	_ =	sdelay $0x3  }
0x36: {  	p1 =	seq.s32 s10, $0x1;
	s10 =	sld [smem:$0x3FAE];
	_ =	sdelay $0x3  }
0x37: {  	[smem:$0x3FAE] =	sst s10  }
0x38: {  	s10 =	sld [smem:$0x3FAF]  }
0x39: {  	_ = 	snop;
	(pc) =	sbr.ind lr, $3  }
0x3a: {  	_ = 	snop  }
0x3b: {  	_ = 	snop  }
0x3c: {  	p2 =	seq.s32 s10, $0x1;
	s10 =	sld [smem:$0x3FAE]  }
0x3d: {  	_ =	shalt  }
0x3e: {  	_ =	shalt  }
0x3f: {  	_ =	shalt  }
0x40: {  	_ =	shalt  }
0x41: {  	_ =	shalt  }
0x42: {  	_ =	shalt  }
0x43: {  	_ =	shalt  }
0x44: {  	_ =	shalt  }
0x45: {  	_ =	shalt  }
0x46: {  	_ =	shalt  }
0x47: {  	_ =	shalt  }
0x48: {  	_ =	shalt  }
0x49: {  	_ =	shalt  }
0x4a: {  	_ =	shalt  }
0x4b: {  	_ =	shalt  }
0x4c: {  	_ =	shalt  }
0x4d: {  	_ =	shalt  }
0x4e: {  	_ =	shalt  }
0x4f: {  	_ =	shalt  }
0x50: {  	_ =	shalt  }
0x51: {  	_ =	shalt  }
0x52: {  	_ =	shalt  }
0x53: {  	_ =	shalt  }
0x54: {  	_ =	shalt  }
0x55: {  	_ =	shalt  }
0x56: {  	_ =	shalt  }
0x57: {  	_ =	shalt  }
0x58: {  	_ =	shalt  }
0x59: {  	_ =	shalt  }
0x5a: {  	_ =	shalt  }
0x5b: {  	_ =	shalt  }
0x5c: {  	_ =	shalt  }
0x5d: {  	_ =	shalt  }
0x5e: {  	_ =	shalt  }
0x5f: {  	_ =	shalt  }
0x60: {  	_ =	shalt  }
0x61: {  	_ =	shalt  }
0x62: {  	_ =	shalt  }
0x63: {  	_ =	shalt  }
0x64: {  	_ =	shalt  }
0x65: {  	_ =	shalt  }
0x66: {  	_ =	shalt  }
0x67: {  	_ =	shalt  }
0x68: {  	_ =	shalt  }
0x69: {  	_ =	shalt  }
0x6a: {  	_ =	shalt  }
0x6b: {  	_ =	shalt  }
0x6c: {  	_ =	shalt  }
0x6d: {  	_ =	shalt  }
0x6e: {  	_ =	shalt  }
0x6f: {  	_ =	shalt  }
0x70: {  	_ =	shalt  }
0x71: {  	_ =	shalt  }
0x72: {  	_ =	shalt  }
0x73: {  	_ =	shalt  }
0x74: {  	_ =	shalt  }
0x75: {  	_ =	shalt  }
0x76: {  	_ =	shalt  }
0x77: {  	_ =	shalt  }
0x78: {  	_ =	shalt  }
0x79: {  	_ =	shalt  }
0x7a: {  	_ =	shalt  }
0x7b: {  	_ =	shalt  }
0x7c: {  	_ =	shalt  }
0x7d: {  	_ =	shalt  }
0x7e: {  	_ =	shalt  }
0x7f: {  	_ =	shalt  }
0x80: {  	_ =	shalt  }
0x81: {  	_ =	shalt  }
0x82: {  	_ =	shalt  }
0x83: {  	_ =	shalt  }
0x84: {  	_ =	shalt  }
0x85: {  	_ =	shalt  }
0x86: {  	_ =	shalt  }
0x87: {  	_ =	shalt  }
.Lfunc_end0:
.L_simem_size_0:
called_computation.1_lowered:
.L_overlay_start_0:
0x88: {  	s2 =	sld [smem:$0x3FD9]  }
0x89: {  	s3 =	sld [smem:$0x3FFE];
	_ =	sdelay $0x1  }
0x8a: {  	s1 =	srdreg.scid  }
0x8b: {  	s0 =	sand.u32 $0x1, s1  }
0x8c: {  	s14 =	sshll.u32 s0, $0xA;
	s2 =	sadd.s32 s3, s2  }
0x8d: {  	s2 =	sadd.s32 s2, s14  }
0x8e: {  	[smem:$0x3FBA] =	sst s2  }
0x8f: {  	_ = 	snop  }
0x90: {  	s2 =	sld [smem:$0x3FD0];
	_ =	sdelay $0x2  }
0x91: {  	s15 =	simm.s32 $0xA;
	s4 =	simm.s32 $0x10  }
0x92: {  	[smem:s4], [sflag:s15] =	dma.local [hbm:s2], $0x1  }
0x93: {  	_ =	swait.eq [sflag:s15], $0x1  }
0x94: {  	[sflag:s15] =	ssyncset.done $0x0  }
0x95: {  	[sflag:s15] =	ssyncadd.s32 $0xFFFFFFFF  }
0x96: {  	s16 =	sld [smem:$0x11];
	(tm) =	ssettm $0x1  }
0x97: {  	s17 =	sld [smem:$0x3FFB];
	_ =	sdelay $0x3  }
0x98: {  	_ =	strace s17  }
0x99: {  	s3 =	sld [smem:$0x3FFC];
	_ =	sdelay $0x3  }
0x9a: {  	_ =	strace s3  }
0x9b: {  	s3 =	sld [smem:$0x3FFD];
	_ =	sdelay $0x3  }
0x9c: {  	_ =	strace s3  }
0x9d: {  	_ =	strace $0x8FFFFFFF  }
0x9e: {  	s18 =	sld [smem:$0x3FDB];
	_ =	sdelay $0x1  }
0x9f: {  	s19 =	simm.s32 $_scs_section_size  }
0xa0: {  	s5 =	simm.s32 $_size__tile_overlayer_lowered;
	s6 =	simm.s32 $_tile_overlayer_lowered  }
0xa1: {  	s22 =	simm.s32 $0x1BFF;
	s21 =	sshll.u32 s6, $0x1;
	s3 =	sadd.s32 s19, s18  }
0xa2: {  	s7 =	simm.s32 $0x0;
	s20 =	sshll.u32 s5, $0x1;
	s5 =	sadd.s32 s21, s3  }
0xa3: {  	[timem:s7], [sflag:s22] =	dma.local [hbm:s5], s20  }
0xa4: {  	_ =	swait.ge [sflag:s22], s20  }
0xa5: {  	s4 =	ssub.s32 $0x0, s20;
	[sflag:s22] =	ssyncset.done $0x0  }
0xa6: {  	[sflag:s22] =	ssyncadd.s32 s4;
	_ =	sdelay $0x1  }
0xa7: {  	s23 =	simm.s32 $0x1B8B  }
0xa8: {  	_ =	swait.ge [sflag:s23], $0x1  }
0xa9: {  	[sflag:s23] =	ssyncset.done $0x0  }
0xaa: {  	s25 =	simm.s32 $0x1B8E;
	s24 =	sld [smem:$0x3FFE];
	[sflag:s23] =	ssyncadd.s32 $0xFFFFFFFF  }
0xab: {  	s26 =	simm.s32 $execute0_lowered;
	[smem:$0x3FD2] =	sst s25  }
0xac: {  	s5 =	sshll.u32 s26, $0x1;
	_ =	strace $0x80000049;
	[dreg:$0x1] =	wrdreg $0xFFFFFFFF  }
0xad: {  	s28 =	simm.s32 $_size_execute0_lowered;
	s3 =	sadd.s32 s3, s5;
	[dreg:$0x0] =	wrdreg $0x0  }
0xae: {  	s5 =	sshll.u32 s28, $0x1;
	[dreg:$0x2] =	wrdreg s3  }
0xaf: {  	[dreg:$0x3] =	wrdreg s5  }
0xb0: {  	[dreg:$0x4] =	wrdreg $0xC0  }
0xb1: {  	_ =	task [dreg:s7], $0x5FFFF  }
0xb2: {  	[dreg:$0x1] =	wrdreg $0xFFFFFFFF  }
0xb3: {  	[dreg:$0x0] =	wrdreg $0x60  }
0xb4: {  	[dreg:$0x2] =	wrdreg s16  }
0xb5: {  	[dreg:$0x3] =	wrdreg s24  }
0xb6: {  	[dreg:$0x4] =	wrdreg $0x9  }
0xb7: {  	_ =	task.clear_ibuf [dreg:s7], $0x5FFFF;
	_ =	strace $0x90000049  }
0xb8: {  	s29 =	simm.s32 $0x9;
	_ =	strace $0x8000004B  }
0xb9: {  	_ =	swait.ge [sflag:s29], $0x1  }
0xba: {  	[sflag:s29] =	ssyncadd.s32 $0xFFFFFFFF  }
0xbb: {  	_ =	strace $0x9000004B  }
0xbc: {  	_ =	sfence  }
0xbd: {  	s30 =	sld [smem:$0x0];
	_ =	sdelay $0x2  }
0xbe: {  	s31 =	sshll.u32 s1, $0xD;
	s1 =	sshrl.u32 s1, $0x2  }
0xbf: {  	s3 =	sand.u32 $0x4000, s31;
	s1 =	sadd.s32 s1, s30  }
0xc0: {  	s0 =	sor.u32 s3, s0;
	s1 =	sshll.u32 s1, $0x11  }
0xc1: {  	s0 =	sor.u32 s1, s0  }
0xc2: {  	s0 =	sadd.s32 $0x8F2B, s0  }
0xc3: {  	[sflag:s0] =	ssyncadd.remote.s32 $0x1  }
0xc4: {  	_ =	sfence.sel $0xFFFF  }
0xc5: {  	[dreg:$0x0] =	wrdreg $0xFFFFFFFF;
	(pc) =	sbr.abs _section_cstart, $3  }
0xc6: {  	[dreg:$0x1] =	wrdreg $0xFFFFFFFF  }
0xc7: {  	_ =	task.clear_ibuf [dreg:s7], $0x2FFFF;
	_ =	strace $0x9FFFFFFF  }
0xc8: {  	(tm) =	ssettm $0x7FFFFFFF  }
0xc9: {  	_ =	shalt  }
tec
execute0_lowered:
.L_overlay_start_1:
0x0: {  	(tag) =	ssettag $0x1  }
0x1: {  	s1 =	rddreg [dreg:$0x0]  }
0x2: {  	s4 =	rddreg [dreg:$0x1]  }
0x3: {  	s0 =	rddreg [dreg:$0x2];
	s3 =	simm.s32 $0x0;
	s2 =	stileid.u32  }
0x4: {  	s5 =	srdreg.scid;
	s10 =	simm.s32 $0x2400;
	s11 =	simm.s32 $0x100  }
0x5: {  	s12 =	simm.s32 $0x4400;
	s13 =	simm.s32 $0x180;
	s14 =	simm.s32 $0x6400  }
0x6: {  	s15 =	simm.s32 $0x200;
	s16 =	simm.s32 $0x8400;
	s17 =	simm.s32 $0x280  }
0x7: {  	s18 =	simm.s32 $0xA400;
	s19 =	simm.s32 $0x300;
	s20 =	simm.s32 $0xC400  }
0x8: {  	s21 =	simm.s32 $0x380;
	s22 =	simm.s32 $0xE400;
	s23 =	simm.s32 $0x1  }
0x9: {  	s24 =	simm.s32 $0x0;
	[smem:$0x7FF] =	sst s3;
	s6 =	sshll.u32 s2, $0xC  }
0xa: {  	s7 =	sshll.u32 s2, $0x12;
	s5 =	sand.u32 $0x1, s5;
	_ =	strace $0x8000004A  }
0xb: {  	s6 =	sadd.s32 s6, s4;
	s4 =	sadd.s32 s7, s4;
	s30 =	ssub.s32 $0x2, s5  }
0xc: {  	s9 =	sshll.u32 s5, $0xB;
	s5 =	sshll.u32 s5, $0x11;
	s8 =	sshrl.u32 s30, $0x1  }
0xd: {  	s6 =	sadd.s32 s9, s6;
	s31 =	sadd.s32 s5, s4;
	s9 =	simm.s32 $0x400  }
0xe: {  	s7 =	ssub.s32 s30, s8;
	s5 =	sadd.s32 $0x244200, s6;
	s6 =	sadd.s32 $0x2E4200, s31  }
0xf: {  	s8 =	simm.s32 $0x80;
	s4 =	smax.u32 s7, $0x1;
	s7 =	simm.s32 $0x2  }
.LBB2_1:
0x10: {  	s25 =	sadd.s32 $0x0, s5  }
0x11: {  	[tilespmem:s3], [sflag:$0x2] =	stream.linear.gather [hbm4b:s25+s3], $0x400, $0x38;
	[tilespmem:$0x10400] =	vst v63  }
0x12: {  	_ =	swait.ge [sflag:s7], $0x400  }
0x13: {  	[sflag:s7] =	ssyncset.done $0x0  }
0x14: {  	[sflag:s7] =	ssyncadd.s32 $0xFFFFFC00  }
0x15: {  	[tilespmem:s9], [sflag:$0x1] =	stream.indirect.gather [hbm4b:s1+s8], $0x40, s3, s8, $0xb8;
	[tilespmem:$0x10400] =	vst v63  }
0x16: {  	_ = 	snop  }
0x17: {  	[tilespmem:s10], [sflag:$0x1] =	stream.indirect.gather [hbm4b:s1+s8], $0x40, s8, s8, $0xb8;
	[tilespmem:$0x10400] =	vst v63  }
0x18: {  	_ = 	snop  }
0x19: {  	[tilespmem:s12], [sflag:$0x1] =	stream.indirect.gather [hbm4b:s1+s8], $0x40, s11, s8, $0xb8;
	[tilespmem:$0x10400] =	vst v63  }
0x1a: {  	_ = 	snop  }
0x1b: {  	[tilespmem:s14], [sflag:$0x1] =	stream.indirect.gather [hbm4b:s1+s8], $0x40, s13, s8, $0xb8;
	[tilespmem:$0x10400] =	vst v63  }
0x1c: {  	_ = 	snop  }
0x1d: {  	[tilespmem:s16], [sflag:$0x1] =	stream.indirect.gather [hbm4b:s1+s8], $0x40, s15, s8, $0xb8;
	[tilespmem:$0x10400] =	vst v63  }
0x1e: {  	_ = 	snop  }
0x1f: {  	[tilespmem:s18], [sflag:$0x1] =	stream.indirect.gather [hbm4b:s1+s8], $0x40, s17, s8, $0xb8;
	[tilespmem:$0x10400] =	vst v63  }
0x20: {  	_ = 	snop  }
0x21: {  	[tilespmem:s20], [sflag:$0x1] =	stream.indirect.gather [hbm4b:s1+s8], $0x40, s19, s8, $0xb8;
	[tilespmem:$0x10400] =	vst v63  }
0x22: {  	_ = 	snop  }
0x23: {  	[tilespmem:s22], [sflag:$0x1] =	stream.indirect.gather [hbm4b:s1+s8], $0x40, s21, s8, $0xb8;
	[tilespmem:$0x10400] =	vst v63  }
0x24: {  	_ =	swait.ge [sflag:s23], $0x2000  }
0x25: {  	[sflag:s23] =	ssyncset.done $0x0  }
0x26: {  	[sflag:s23] =	ssyncadd.s32 $0xFFFFE000  }
0x27: {  	_ =	swait.ge [sflag:s23], $0x2000  }
0x28: {  	[sflag:s23] =	ssyncset.done $0x0  }
0x29: {  	[sflag:s23] =	ssyncadd.s32 $0xFFFFE000  }
0x2a: {  	_ =	swait.ge [sflag:s23], $0x2000  }
0x2b: {  	[sflag:s23] =	ssyncset.done $0x0  }
0x2c: {  	[sflag:s23] =	ssyncadd.s32 $0xFFFFE000  }
0x2d: {  	_ =	swait.ge [sflag:s23], $0x2000  }
0x2e: {  	[sflag:s23] =	ssyncset.done $0x0  }
0x2f: {  	[sflag:s23] =	ssyncadd.s32 $0xFFFFE000  }
0x30: {  	_ =	swait.ge [sflag:s23], $0x2000  }
0x31: {  	[sflag:s23] =	ssyncset.done $0x0  }
0x32: {  	[sflag:s23] =	ssyncadd.s32 $0xFFFFE000  }
0x33: {  	_ =	swait.ge [sflag:s23], $0x2000  }
0x34: {  	[sflag:s23] =	ssyncset.done $0x0  }
0x35: {  	[sflag:s23] =	ssyncadd.s32 $0xFFFFE000  }
0x36: {  	_ =	swait.ge [sflag:s23], $0x2000  }
0x37: {  	[sflag:s23] =	ssyncset.done $0x0  }
0x38: {  	[sflag:s23] =	ssyncadd.s32 $0xFFFFE000  }
0x39: {  	_ =	swait.ge [sflag:s23], $0x2000  }
0x3a: {  	[sflag:s23] =	ssyncset.done $0x0  }
0x3b: {  	[sflag:s23] =	ssyncadd.s32 $0xFFFFE000  }
0x3c: {  	[hbm4b:s6+s3] =	stream.linear.scatter [tilespmem:s9], [sflag:$0x2], $0x10000, $0x38;
	[tilespmem:$0x10400] =	vst v63  }
0x3d: {  	s26 =	simm.s32 $0x80;
	_ =	swait.ge [sflag:s7], $0x10000  }
0x3e: {  	s29 =	simm.s32 $0x100;
	s25 =	sadd.s32 $0x2000, s6;
	[sflag:s7] =	ssyncset.done $0x0  }
.LBB2_2:
0x3f: {  	s30 =	sadd.s32 s26, s5  }
0x40: {  	[sflag:s7] =	ssyncadd.s32 $0xFFFF0000;
	s26 =	smov.u32 s29;
	s28 =	sadd.s32 $0x80, s29  }
0x41: {  	[tilespmem:s3], [sflag:$0x2] =	stream.linear.gather [hbm4b:s30+s3], $0x400, $0x38;
	[tilespmem:$0x10400] =	vst v63  }
0x42: {  	p0 =	sne.s32 s29, $0x780;
	_ =	swait.ge [sflag:s7], $0x400  }
0x43: {  	[sflag:s7] =	ssyncset.done $0x0  }
0x44: {  	[sflag:s7] =	ssyncadd.s32 $0xFFFFFC00  }
0x45: {  	[tilespmem:s9], [sflag:$0x1] =	stream.indirect.gather [hbm4b:s1+s8], $0x40, s3, s8, $0xb8;
	[tilespmem:$0x10400] =	vst v63  }
0x46: {  	_ = 	snop  }
0x47: {  	[tilespmem:s10], [sflag:$0x1] =	stream.indirect.gather [hbm4b:s1+s8], $0x40, s8, s8, $0xb8;
	[tilespmem:$0x10400] =	vst v63  }
0x48: {  	_ = 	snop  }
0x49: {  	[tilespmem:s12], [sflag:$0x1] =	stream.indirect.gather [hbm4b:s1+s8], $0x40, s11, s8, $0xb8;
	[tilespmem:$0x10400] =	vst v63  }
0x4a: {  	_ = 	snop  }
0x4b: {  	[tilespmem:s14], [sflag:$0x1] =	stream.indirect.gather [hbm4b:s1+s8], $0x40, s13, s8, $0xb8;
	[tilespmem:$0x10400] =	vst v63  }
0x4c: {  	_ = 	snop  }
0x4d: {  	[tilespmem:s16], [sflag:$0x1] =	stream.indirect.gather [hbm4b:s1+s8], $0x40, s15, s8, $0xb8;
	[tilespmem:$0x10400] =	vst v63  }
0x4e: {  	_ = 	snop  }
0x4f: {  	[tilespmem:s18], [sflag:$0x1] =	stream.indirect.gather [hbm4b:s1+s8], $0x40, s17, s8, $0xb8;
	[tilespmem:$0x10400] =	vst v63  }
0x50: {  	_ = 	snop  }
0x51: {  	[tilespmem:s20], [sflag:$0x1] =	stream.indirect.gather [hbm4b:s1+s8], $0x40, s19, s8, $0xb8;
	[tilespmem:$0x10400] =	vst v63  }
0x52: {  	_ = 	snop  }
0x53: {  	[tilespmem:s22], [sflag:$0x1] =	stream.indirect.gather [hbm4b:s1+s8], $0x40, s21, s8, $0xb8;
	[tilespmem:$0x10400] =	vst v63  }
0x54: {  	_ =	swait.ge [sflag:s23], $0x2000  }
0x55: {  	[sflag:s23] =	ssyncset.done $0x0  }
0x56: {  	[sflag:s23] =	ssyncadd.s32 $0xFFFFE000  }
0x57: {  	_ =	swait.ge [sflag:s23], $0x2000  }
0x58: {  	[sflag:s23] =	ssyncset.done $0x0  }
0x59: {  	[sflag:s23] =	ssyncadd.s32 $0xFFFFE000  }
0x5a: {  	_ =	swait.ge [sflag:s23], $0x2000  }
0x5b: {  	[sflag:s23] =	ssyncset.done $0x0  }
0x5c: {  	[sflag:s23] =	ssyncadd.s32 $0xFFFFE000  }
0x5d: {  	_ =	swait.ge [sflag:s23], $0x2000  }
0x5e: {  	[sflag:s23] =	ssyncset.done $0x0  }
0x5f: {  	[sflag:s23] =	ssyncadd.s32 $0xFFFFE000  }
0x60: {  	_ =	swait.ge [sflag:s23], $0x2000  }
0x61: {  	[sflag:s23] =	ssyncset.done $0x0  }
0x62: {  	[sflag:s23] =	ssyncadd.s32 $0xFFFFE000  }
0x63: {  	_ =	swait.ge [sflag:s23], $0x2000  }
0x64: {  	[sflag:s23] =	ssyncset.done $0x0  }
0x65: {  	[sflag:s23] =	ssyncadd.s32 $0xFFFFE000  }
0x66: {  	_ =	swait.ge [sflag:s23], $0x2000  }
0x67: {  	[sflag:s23] =	ssyncset.done $0x0  }
0x68: {  	[sflag:s23] =	ssyncadd.s32 $0xFFFFE000  }
0x69: {  	_ =	swait.ge [sflag:s23], $0x2000  }
.Ltmp0:
0x6a: {  	[sflag:s23] =	ssyncset.done $0x0;
	(pc) =	sbr.rel @p0 .LBB2_2-.Ltmp0, $4  }
0x6b: {  	[sflag:s23] =	ssyncadd.s32 $0xFFFFE000  }
0x6c: {  	[hbm4b:s25+s3] =	stream.linear.scatter [tilespmem:s9], [sflag:$0x2], $0x10000, $0x38;
	[tilespmem:$0x10400] =	vst v63  }
0x6d: {  	_ =	swait.ge [sflag:s7], $0x10000  }
0x6e: {  	s29 =	smov.u32 s28;
	s25 =	sadd.s32 $0x2000, s25;
	[sflag:s7] =	ssyncset.done $0x0  }
0x6f: {  	s26 =	sadd.s32 s26, s5;
	[sflag:s7] =	ssyncadd.s32 $0xFFFF0000  }
0x70: {  	[tilespmem:s3], [sflag:$0x2] =	stream.linear.gather [hbm4b:s26+s3], $0x400, $0x38;
	[tilespmem:$0x10400] =	vst v63  }
0x71: {  	_ =	swait.ge [sflag:s7], $0x400  }
0x72: {  	[sflag:s7] =	ssyncset.done $0x0  }
0x73: {  	[sflag:s7] =	ssyncadd.s32 $0xFFFFFC00  }
0x74: {  	[tilespmem:s9], [sflag:$0x1] =	stream.indirect.gather [hbm4b:s1+s8], $0x40, s3, s8, $0xb8;
	[tilespmem:$0x10400] =	vst v63  }
0x75: {  	_ = 	snop  }
0x76: {  	[tilespmem:s10], [sflag:$0x1] =	stream.indirect.gather [hbm4b:s1+s8], $0x40, s8, s8, $0xb8;
	[tilespmem:$0x10400] =	vst v63  }
0x77: {  	_ = 	snop  }
0x78: {  	[tilespmem:s12], [sflag:$0x1] =	stream.indirect.gather [hbm4b:s1+s8], $0x40, s11, s8, $0xb8;
	[tilespmem:$0x10400] =	vst v63  }
0x79: {  	_ = 	snop  }
0x7a: {  	[tilespmem:s14], [sflag:$0x1] =	stream.indirect.gather [hbm4b:s1+s8], $0x40, s13, s8, $0xb8;
	[tilespmem:$0x10400] =	vst v63  }
0x7b: {  	_ = 	snop  }
0x7c: {  	[tilespmem:s16], [sflag:$0x1] =	stream.indirect.gather [hbm4b:s1+s8], $0x40, s15, s8, $0xb8;
	[tilespmem:$0x10400] =	vst v63  }
0x7d: {  	_ = 	snop  }
0x7e: {  	[tilespmem:s18], [sflag:$0x1] =	stream.indirect.gather [hbm4b:s1+s8], $0x40, s17, s8, $0xb8;
	[tilespmem:$0x10400] =	vst v63  }
0x7f: {  	_ = 	snop  }
0x80: {  	[tilespmem:s20], [sflag:$0x1] =	stream.indirect.gather [hbm4b:s1+s8], $0x40, s19, s8, $0xb8;
	[tilespmem:$0x10400] =	vst v63  }
0x81: {  	_ = 	snop  }
0x82: {  	[tilespmem:s22], [sflag:$0x1] =	stream.indirect.gather [hbm4b:s1+s8], $0x40, s21, s8, $0xb8;
	[tilespmem:$0x10400] =	vst v63  }
0x83: {  	_ =	swait.ge [sflag:s23], $0x2000  }
0x84: {  	[sflag:s23] =	ssyncset.done $0x0  }
0x85: {  	[sflag:s23] =	ssyncadd.s32 $0xFFFFE000  }
0x86: {  	_ =	swait.ge [sflag:s23], $0x2000  }
0x87: {  	[sflag:s23] =	ssyncset.done $0x0  }
0x88: {  	[sflag:s23] =	ssyncadd.s32 $0xFFFFE000  }
0x89: {  	_ =	swait.ge [sflag:s23], $0x2000  }
0x8a: {  	[sflag:s23] =	ssyncset.done $0x0  }
0x8b: {  	[sflag:s23] =	ssyncadd.s32 $0xFFFFE000  }
0x8c: {  	_ =	swait.ge [sflag:s23], $0x2000  }
0x8d: {  	[sflag:s23] =	ssyncset.done $0x0  }
0x8e: {  	[sflag:s23] =	ssyncadd.s32 $0xFFFFE000  }
0x8f: {  	_ =	swait.ge [sflag:s23], $0x2000  }
0x90: {  	[sflag:s23] =	ssyncset.done $0x0  }
0x91: {  	[sflag:s23] =	ssyncadd.s32 $0xFFFFE000  }
0x92: {  	_ =	swait.ge [sflag:s23], $0x2000  }
0x93: {  	[sflag:s23] =	ssyncset.done $0x0  }
0x94: {  	[sflag:s23] =	ssyncadd.s32 $0xFFFFE000  }
0x95: {  	_ =	swait.ge [sflag:s23], $0x2000  }
0x96: {  	[sflag:s23] =	ssyncset.done $0x0  }
0x97: {  	[sflag:s23] =	ssyncadd.s32 $0xFFFFE000  }
0x98: {  	s24 =	sadd.s32 $0x1, s24;
	_ =	swait.ge [sflag:s23], $0x2000  }
0x99: {  	p0 =	sne.s32 s24, s4;
	[sflag:s23] =	ssyncset.done $0x0  }
.Ltmp1:
0x9a: {  	[sflag:s23] =	ssyncadd.s32 $0xFFFFE000;
	(pc) =	sbr.rel @p0 .LBB2_1-.Ltmp1, $4  }
0x9b: {  	[hbm4b:s25+s3] =	stream.linear.scatter [tilespmem:s9], [sflag:$0x2], $0x10000, $0x38;
	[tilespmem:$0x10400] =	vst v63  }
0x9c: {  	_ =	swait.ge [sflag:s7], $0x10000  }
0x9d: {  	[sflag:s7] =	ssyncset.done $0x0  }
0x9e: {  	[sflag:s7] =	ssyncadd.s32 $0xFFFF0000  }
0x9f: {  	_ =	sfence.sel $0x180000  }
0xa0: {  	[bflag:$0x0] =	sbarrier.arrive $0xFFFF  }
0xa1: {  	p0 =	sne.s32 s2, $0x0;
	_ =	strace $0x9000004A  }
0xa2: {  	s0 =	sadd.s32 @!p0 $0x100000, s0;
	[bflag:$0x2] =	sbarrier.arrive $0xFFFF  }
0xa3: {  	[sflag:s0] =	ssyncadd.tile.s32 @!p0 $0x1;
	_ =	shalt  }
.Lfunc_end2:
_tile_overlayer_lowered:
.L_overlay_start_2:
0xa4: {  	(tag) =	ssettag $0x2  }
0xa5: {  	s0 =	rddreg [dreg:$0x0];
	s2 =	stileid.u32  }
0xa6: {  	s1 =	rddreg [dreg:$0x1];
	p0 =	sne.s32 s2, $0x0  }
0xa7: {  	s3 =	rddreg [dreg:$0x2];
	[bflag:$0x3] =	sbarrier.arrive $0xFFFF;
	s2 =	simm.s32 @!p0 $0x1C02  }
0xa8: {  	[timem:s3], [sflag:s2] =	dma.local @!p0 [hbm:s0], s1  }
0xa9: {  	s0 =	simm.s32 @!p0 $0x2  }
0xaa: {  	_ =	swait.ge @!p0 [sflag:s0], s1  }
0xab: {  	s1 =	ssub.s32 @!p0 $0x0, s1;
	[sflag:s0] =	ssyncset.done @!p0 $0x0  }
0xac: {  	[sflag:s0] =	ssyncadd.s32 @!p0 s1  }
0xad: {  	[bflag:$0x3] =	sbarrier.arrive $0xFFFF  }
0xae: {  	_ =	shalt  }

</sc_bundles>
